<compile_context>
chip_gen: v7x
topology: tpu7x:2x2x1
jax: 0.10.2.dev20260603
libtpu: 0.0.44.dev20260713+nightly
codegen_flags: <defaults>
</compile_context>

<pallas_src>
import functools

import jax
import jax.numpy as jnp
from jax import lax
from jax.experimental import pallas as pl
from jax.experimental.pallas import tpu as pltpu
from jax.experimental.pallas import tpu_sc as plsc

DIM = 64
INP = 128
NTYPE = 3
TYPE_RANGE = 100000



@functools.lru_cache(maxsize=None)
def _make_sc_gather(B, D):
    info = plsc.get_sparse_core_info()
    NC, NS = info.num_cores, info.num_subcores
    NW = NC * NS
    bpw = B // NW
    CH = 128
    NCHUNK = bpw // CH
    mesh = plsc.VectorSubcoreMesh(core_axis_name="c", subcore_axis_name="s")

    @functools.partial(
        pl.kernel, mesh=mesh,
        out_type=jax.ShapeDtypeStruct((B, D), jnp.float32),
        scratch_types=[
            pltpu.VMEM((NCHUNK, CH), jnp.int32),
            pltpu.VMEM((bpw, D), jnp.float32),
            pltpu.SemaphoreType.DMA,
        ],
    )
    def gather(x_hbm, table_hbm, out_hbm, idx_v, rows_v, sem):
        wid = lax.axis_index("s") * NC + lax.axis_index("c")
        base = wid * bpw
        pltpu.sync_copy(x_hbm.at[wid], idx_v)
        for j in range(NCHUNK):
            for l in range(CH // 16):
                v = idx_v[j, pl.ds(l * 16, 16)]
                idx_v[j, pl.ds(l * 16, 16)] = jnp.maximum(v - 1, 0)
        copies = [
            pltpu.async_copy(
                table_hbm.at[idx_v.at[j]],
                rows_v.at[pl.ds(j * CH, CH)],
                sem,
            )
            for j in range(NCHUNK)
        ]
        for c in copies:
            c.wait()
        pltpu.sync_copy(rows_v, out_hbm.at[pl.ds(base, bpw)])

    return gather, NW, NCHUNK, CH



def _tc_body(adj_ref, t_ref, w_ref, p_ref, out_ref, loss_ref):
    i = pl.program_id(0)
    adj = adj_ref[...]
    tline = t_ref[...]
    Bb = adj.shape[0]
    m = [tline == k for k in range(NTYPE)]
    validT = tline >= 0.0

    oh8 = jnp.concatenate(
        [mk.astype(jnp.float32) for mk in m]
        + [jnp.zeros((8 - NTYPE, Bb), jnp.float32)], axis=0)
    pall = lax.dot_general(p_ref[...], oh8, (((1,), (0,)), ((), ())),
                           preferred_element_type=jnp.float32)
    b1T = pall[0:DIM]
    gT = pall[DIM:2 * DIM]
    bT = pall[2 * DIM:3 * DIM]
    b2T = pall[3 * DIM:5 * DIM]

    wcat = w_ref[...].reshape(NTYPE * DIM, INP)
    hT = lax.dot_general(wcat, adj, (((1,), (1,)), ((), ())),
                         preferred_element_type=jnp.float32)
    hsel = jnp.where(m[0], hT[0:DIM],
                     jnp.where(m[1], hT[DIM:2 * DIM], hT[2 * DIM:3 * DIM]))
    encT = jnp.tanh(hsel + b1T)

    z = jnp.zeros((DIM, Bb), jnp.float32)
    encm = jnp.concatenate([jnp.where(mk, encT, z) for mk in m], axis=0)
    recon0T = lax.dot_general(wcat, encm, (((0,), (0,)), ((), ())),
                              preferred_element_type=jnp.float32)

    adjT = adj.T
    ambT = adjT - b2T
    ne0T = (adjT != 0.0).astype(jnp.float32)
    denT = jnp.maximum(jnp.sum(ne0T, axis=0, keepdims=True), 1.0)
    numT = jnp.sum(ne0T * (ambT - recon0T) ** 2, axis=0, keepdims=True)
    per_rowT = jnp.where(validT, numT / denT, 0.0)

    muT = jnp.mean(encT, axis=0, keepdims=True)
    varT = jnp.maximum(
        jnp.mean(encT * encT, axis=0, keepdims=True) - muT * muT, 0.0)
    nrmT = (encT - muT) * lax.rsqrt(varT + 1e-5)
    out_ref[...] = jnp.where(validT, nrmT * gT + bT, 0.0)

    lane = lax.broadcasted_iota(jnp.int32, (1, INP), 1)
    s_blk = sum(jnp.sum(mk.astype(jnp.float32) * per_rowT, axis=1,
                        keepdims=True)
                * (lane == k).astype(jnp.float32)
                for k, mk in enumerate(m))
    c_blk = sum(jnp.sum(mk.astype(jnp.float32), axis=1, keepdims=True)
                * (lane == k).astype(jnp.float32)
                for k, mk in enumerate(m))

    @pl.when(i == 0)
    def _init():
        loss_ref[...] = jnp.zeros_like(loss_ref)

    loss_ref[0:1, :] += s_blk
    loss_ref[1:2, :] += c_blk

    @pl.when(i == pl.num_programs(0) - 1)
    def _finish():
        s = loss_ref[0:1, :]
        c = loss_ref[1:2, :]
        contrib = jnp.where(c > 0, s / jnp.maximum(c, 1.0), 0.0)
        loss_ref[...] = jnp.broadcast_to(jnp.sum(contrib), loss_ref.shape)


@functools.lru_cache(maxsize=None)
def _make_tc(B, Bb, interpret=False):
    G = B // Bb
    grid_spec = pl.GridSpec(
        grid=(G,),
        in_specs=[
            pl.BlockSpec((Bb, INP), lambda i: (i, 0)),
            pl.BlockSpec((1, Bb), lambda i: (0, i)),
            pl.BlockSpec((NTYPE, DIM, INP), lambda i: (0, 0, 0)),
            pl.BlockSpec((5 * DIM, 8), lambda i: (0, 0)),
        ],
        out_specs=[
            pl.BlockSpec((DIM, Bb), lambda i: (0, i)),
            pl.BlockSpec((8, INP), lambda i: (0, 0)),
        ],
    )
    return pl.pallas_call(
        _tc_body,
        grid_spec=grid_spec,
        out_shape=[
            jax.ShapeDtypeStruct((DIM, B), jnp.float32),
            jax.ShapeDtypeStruct((8, INP), jnp.float32),
        ],
        compiler_params=pltpu.CompilerParams(
            dimension_semantics=("arbitrary",)),
        interpret=interpret,
    )



def kernel(x, tables, ae_w, ae_b1, ae_b2, ln_g, ln_b):
    B = x.shape[0]
    x = x.astype(jnp.int32)
    table_flat = tables.reshape(NTYPE * tables.shape[1], INP)

    gather, NW, NCHUNK, CH = _make_sc_gather(B, INP)
    adj = gather(x.reshape(NW, NCHUNK, CH), table_flat)

    pcat = jnp.concatenate([ae_b1, ln_g, ln_b, ae_b2], axis=1).T
    ppad = jnp.zeros((5 * DIM, 8), jnp.float32).at[:, :NTYPE].set(pcat)

    trow = jnp.where(x >= 1, (x - 1) // TYPE_RANGE, -1) \
        .astype(jnp.float32).reshape(1, B)

    tc = _make_tc(B, 4096)
    finalT, lossbuf = tc(adj, trow, ae_w, ppad)
    return finalT.T, lossbuf[0, 0].reshape(1)

# --- scband reference (transcript-rebuilt; emitter-appended) ---
"""Pipeline reference for scband-multiple-embedding-75007308857671 (READ-ONLY COPY).

The authoritative reference and input builder live on the scoring server;
editing this copy changes nothing except your own understanding.
"""

import jax, jax.numpy as jnp
import numpy as np

NUM_LIST = np.array([0, 100000, 200000, 300000])
DIM = 64
INP = 128
NTYPE = 3
BATCH = 16384
VOCAB = 100000


def _layernorm(h, g, b):
    mu = jnp.mean(h, axis=-1, keepdims=True)
    var = jnp.var(h, axis=-1, keepdims=True)
    return (h - mu) / jnp.sqrt(var + 1e-5) * g + b


def setup_inputs(seed: int = 0) -> dict:
    key = jax.random.key(seed)
    ks = jax.random.split(key, 8)
    # indices in [0, 300000); 0 selects no table (stays zero row), matching torch semantics
    x = jax.random.randint(ks[0], (BATCH,), 0, 300000)
    # fixed pretrained embedding tables (SparseEmbedding weights), one per node type
    tables = jax.random.normal(ks[1], (NTYPE, VOCAB, INP), dtype=jnp.float32) * 0.02
    # tied autoencoder weights: W [dim, inp], encoder uses W, decoder uses W^T
    ae_w = jax.random.normal(ks[2], (NTYPE, DIM, INP), dtype=jnp.float32) * (1.0 / np.sqrt(INP))
    ae_b1 = jnp.zeros((NTYPE, DIM), jnp.float32)
    ae_b2 = jnp.zeros((NTYPE, INP), jnp.float32)
    ln_g = jnp.ones((NTYPE, DIM), jnp.float32)
    ln_b = jnp.zeros((NTYPE, DIM), jnp.float32)
    return {"x": x, "tables": tables, "ae_w": ae_w, "ae_b1": ae_b1,
            "ae_b2": ae_b2, "ln_g": ln_g, "ln_b": ln_b}


def reference(x, tables, ae_w, ae_b1, ae_b2, ln_g, ln_b):
    N = x.shape[0]
    final = jnp.zeros((N, DIM), jnp.float32)
    recon_loss = jnp.zeros((1,), jnp.float32)
    for i in range(NTYPE):
        lo = int(NUM_LIST[i]); hi = int(NUM_LIST[i + 1])
        mask = (x >= lo + 1) & (x < hi + 1)
        # gather embedding rows (clip keeps out-of-range ids legal; masked out below)
        idx = jnp.clip(x - lo - 1, 0, hi - lo - 1)
        adj = jnp.take(tables[i], idx, axis=0)
        # dropout is identity in eval mode
        enc = jnp.tanh(adj @ ae_w[i].T + ae_b1[i])
        recon = enc @ ae_w[i] + ae_b2[i]
        out = _layernorm(enc, ln_g[i], ln_b[i])
        final = jnp.where(mask[:, None], out, final)
        # sparse_autoencoder_error over the selected rows only
        ne0 = (adj != 0).astype(jnp.float32)
        per_row = jnp.sum((ne0 * (adj - recon)) ** 2, axis=-1) / jnp.maximum(jnp.sum(ne0, axis=-1), 1.0)
        cnt = jnp.sum(mask.astype(jnp.float32))
        err = jnp.sum(jnp.where(mask, per_row, 0.0)) / jnp.maximum(cnt, 1.0)
        recon_loss = recon_loss + jnp.where(cnt > 0, err, 0.0)
    return final, recon_loss

if __name__ == "__main__":
    import jax
    _d = setup_inputs()
    print(jax.jit(kernel)(*tuple(_d.values())))

</pallas_src>

<mosaic_0001>
#map = affine_map<(d0, d1) -> (0, 0, 0)>
#map1 = affine_map<(d0, d1) -> (0, 0)>
module attributes {stable_mosaic.version = 14 : i64} {
  func.func @gather(%arg0: i32, %arg1: i32, %arg2: memref<32x4x128xi32, #tpu.memory_space<hbm>>, %arg3: memref<300000x128xf32, #tpu.memory_space<hbm>>, %arg4: memref<16384x128xf32, #tpu.memory_space<hbm>>, %arg5: memref<4x128xi32, #tpu.memory_space<vmem>>, %arg6: memref<512x128xf32, #tpu.memory_space<vmem>>, %arg7: memref<!tpu.dma_semaphore, #tpu.memory_space<semaphore_mem>>) attributes {dimension_semantics = [#tpu.dimension_semantics<core_parallel>, #tpu.dimension_semantics<subcore_parallel>], iteration_bounds = array<i64: 2, 16>, scalar_prefetch = 0 : i64, scratch_operands = 3 : i64, tpu.core_type = #tpu.core_type<sc_vector_subcore>, window_params = [{transform_indices = #map}, {transform_indices = #map1}, {transform_indices = #map1}]} {
    %mul3A = arith.constant 2 : i32
    %mul3A_0 = arith.muli %arg1, %mul3A : i32
    %add3A = arith.addi %mul3A_0, %arg0 : i32
    %mul3A_1 = arith.constant 512 : i32
    %mul3A_2 = arith.muli %add3A, %mul3A_1 : i32
    "tpu.region"() ({
      %run_scoped3A = tpu.sem_alloc : memref<!tpu.dma_semaphore, #tpu.memory_space<semaphore_mem>>
      %dma_start3A_621 = arith.constant 0 : i32
      %dma_start3A_622 = arith.constant 0 : i32
      %dma_start3A_623 = tpu.memref_slice %arg2[%add3A, %dma_start3A_621, %dma_start3A_622] : memref<32x4x128xi32, #tpu.memory_space<hbm>> -> memref<1x4x128xi32, #tpu.memory_space<hbm>>
      %dma_start3A_624 = tpu.memref_squeeze %dma_start3A_623 : memref<1x4x128xi32, #tpu.memory_space<hbm>> -> memref<4x128xi32, #tpu.memory_space<hbm>>
      %dma_start3A_625 = arith.constant 0 : i32
      %dma_start3A_626 = arith.constant 0 : i32
      %dma_start3A_627 = tpu.memref_slice %arg2[%add3A, %dma_start3A_625, %dma_start3A_626] : memref<32x4x128xi32, #tpu.memory_space<hbm>> -> memref<1x4x128xi32, #tpu.memory_space<hbm>>
      %dma_start3A_628 = tpu.memref_squeeze %dma_start3A_627 : memref<1x4x128xi32, #tpu.memory_space<hbm>> -> memref<4x128xi32, #tpu.memory_space<hbm>>
      tpu.enqueue_dma source(%dma_start3A_628 : memref<4x128xi32, #tpu.memory_space<hbm>>) target(%arg5 : memref<4x128xi32, #tpu.memory_space<vmem>>) target_semaphore(%run_scoped3A : memref<!tpu.dma_semaphore, #tpu.memory_space<semaphore_mem>>)
      %dma_wait3A_629 = arith.constant 0 : i32
      %dma_wait3A_630 = arith.constant 0 : i32
      %dma_wait3A_631 = tpu.memref_slice %arg2[%add3A, %dma_wait3A_629, %dma_wait3A_630] : memref<32x4x128xi32, #tpu.memory_space<hbm>> -> memref<1x4x128xi32, #tpu.memory_space<hbm>>
      %dma_wait3A_632 = tpu.memref_squeeze %dma_wait3A_631 : memref<1x4x128xi32, #tpu.memory_space<hbm>> -> memref<4x128xi32, #tpu.memory_space<hbm>>
      %dma_wait3A_633 = arith.constant 0 : i32
      %dma_wait3A_634 = arith.constant 0 : i32
      %dma_wait3A_635 = tpu.memref_slice %arg2[%add3A, %dma_wait3A_633, %dma_wait3A_634] : memref<32x4x128xi32, #tpu.memory_space<hbm>> -> memref<1x4x128xi32, #tpu.memory_space<hbm>>
      %dma_wait3A_636 = tpu.memref_squeeze %dma_wait3A_635 : memref<1x4x128xi32, #tpu.memory_space<hbm>> -> memref<4x128xi32, #tpu.memory_space<hbm>>
      tpu.wait_dma2 semaphore(%run_scoped3A : memref<!tpu.dma_semaphore, #tpu.memory_space<semaphore_mem>>) src(%dma_wait3A_636 : memref<4x128xi32, #tpu.memory_space<hbm>>) dst(%arg5 : memref<4x128xi32, #tpu.memory_space<vmem>>)
      tpu.yield
    }) : () -> ()
    %get3A = arith.constant 0 : i32
    %get3A_3 = arith.index_cast %get3A : i32 to index
    %get3A_4 = arith.constant 0 : index
    %get3A_5 = tpu.vector_load %arg5[%get3A_3, %get3A_4] {strides = array<i32>} : memref<4x128xi32, #tpu.memory_space<vmem>>, vector<1x16xi32>,
    %get3A_6 = vector.shape_cast %get3A_5 : vector<1x16xi32> to vector<16xi32>
    %sub3A = arith.constant 1 : i32
    %sub3A_7 = vector.broadcast %sub3A : i32 to vector<16xi32>
    %sub3A_8 = arith.subi %get3A_6, %sub3A_7 : vector<16xi32>
    %max3A = arith.constant 0 : i32
    %max3A_9 = vector.broadcast %max3A : i32 to vector<16xi32>
    %max3A_10 = arith.maxsi %sub3A_8, %max3A_9 : vector<16xi32>
    %swap3A = arith.constant 0 : i32
    %swap3A_11 = arith.index_cast %swap3A : i32 to index
    %swap3A_12 = arith.constant 0 : index
    %swap3A_13 = tpu.vector_load %arg5[%swap3A_11, %swap3A_12] {strides = array<i32>} : memref<4x128xi32, #tpu.memory_space<vmem>>, vector<1x16xi32>,
    %swap3A_14 = vector.shape_cast %swap3A_13 : vector<1x16xi32> to vector<16xi32>
    %swap3A_15 = vector.shape_cast %max3A_10 : vector<16xi32> to vector<1x16xi32>
    tpu.vector_store %arg5[%swap3A_11, %swap3A_12], %swap3A_15 {strides = array<i32>} : memref<4x128xi32, #tpu.memory_space<vmem>>, vector<1x16xi32>,
    %get3A_16 = arith.constant 0 : i32
    %get3A_17 = arith.index_cast %get3A_16 : i32 to index
    %get3A_18 = arith.constant 16 : index
    %get3A_19 = tpu.vector_load %arg5[%get3A_17, %get3A_18] {strides = array<i32>} : memref<4x128xi32, #tpu.memory_space<vmem>>, vector<1x16xi32>,
    %get3A_20 = vector.shape_cast %get3A_19 : vector<1x16xi32> to vector<16xi32>
    %sub3A_21 = arith.constant 1 : i32
    %sub3A_22 = vector.broadcast %sub3A_21 : i32 to vector<16xi32>
    %sub3A_23 = arith.subi %get3A_20, %sub3A_22 : vector<16xi32>
    %max3A_24 = arith.constant 0 : i32
    %max3A_25 = vector.broadcast %max3A_24 : i32 to vector<16xi32>
    %max3A_26 = arith.maxsi %sub3A_23, %max3A_25 : vector<16xi32>
    %swap3A_27 = arith.constant 0 : i32
    %swap3A_28 = arith.index_cast %swap3A_27 : i32 to index
    %swap3A_29 = arith.constant 16 : index
    %swap3A_30 = tpu.vector_load %arg5[%swap3A_28, %swap3A_29] {strides = array<i32>} : memref<4x128xi32, #tpu.memory_space<vmem>>, vector<1x16xi32>,
    %swap3A_31 = vector.shape_cast %swap3A_30 : vector<1x16xi32> to vector<16xi32>
    %swap3A_32 = vector.shape_cast %max3A_26 : vector<16xi32> to vector<1x16xi32>
    tpu.vector_store %arg5[%swap3A_28, %swap3A_29], %swap3A_32 {strides = array<i32>} : memref<4x128xi32, #tpu.memory_space<vmem>>, vector<1x16xi32>,
    %get3A_33 = arith.constant 0 : i32
    %get3A_34 = arith.index_cast %get3A_33 : i32 to index
    %get3A_35 = arith.constant 32 : index
    %get3A_36 = tpu.vector_load %arg5[%get3A_34, %get3A_35] {strides = array<i32>} : memref<4x128xi32, #tpu.memory_space<vmem>>, vector<1x16xi32>,
    %get3A_37 = vector.shape_cast %get3A_36 : vector<1x16xi32> to vector<16xi32>
    %sub3A_38 = arith.constant 1 : i32
    %sub3A_39 = vector.broadcast %sub3A_38 : i32 to vector<16xi32>
    %sub3A_40 = arith.subi %get3A_37, %sub3A_39 : vector<16xi32>
    %max3A_41 = arith.constant 0 : i32
    %max3A_42 = vector.broadcast %max3A_41 : i32 to vector<16xi32>
    %max3A_43 = arith.maxsi %sub3A_40, %max3A_42 : vector<16xi32>
    %swap3A_44 = arith.constant 0 : i32
    %swap3A_45 = arith.index_cast %swap3A_44 : i32 to index
    %swap3A_46 = arith.constant 32 : index
    %swap3A_47 = tpu.vector_load %arg5[%swap3A_45, %swap3A_46] {strides = array<i32>} : memref<4x128xi32, #tpu.memory_space<vmem>>, vector<1x16xi32>,
    %swap3A_48 = vector.shape_cast %swap3A_47 : vector<1x16xi32> to vector<16xi32>
    %swap3A_49 = vector.shape_cast %max3A_43 : vector<16xi32> to vector<1x16xi32>
    tpu.vector_store %arg5[%swap3A_45, %swap3A_46], %swap3A_49 {strides = array<i32>} : memref<4x128xi32, #tpu.memory_space<vmem>>, vector<1x16xi32>,
    %get3A_50 = arith.constant 0 : i32
    %get3A_51 = arith.index_cast %get3A_50 : i32 to index
    %get3A_52 = arith.constant 48 : index
    %get3A_53 = tpu.vector_load %arg5[%get3A_51, %get3A_52] {strides = array<i32>} : memref<4x128xi32, #tpu.memory_space<vmem>>, vector<1x16xi32>,
    %get3A_54 = vector.shape_cast %get3A_53 : vector<1x16xi32> to vector<16xi32>
    %sub3A_55 = arith.constant 1 : i32
    %sub3A_56 = vector.broadcast %sub3A_55 : i32 to vector<16xi32>
    %sub3A_57 = arith.subi %get3A_54, %sub3A_56 : vector<16xi32>
    %max3A_58 = arith.constant 0 : i32
    %max3A_59 = vector.broadcast %max3A_58 : i32 to vector<16xi32>
    %max3A_60 = arith.maxsi %sub3A_57, %max3A_59 : vector<16xi32>
    %swap3A_61 = arith.constant 0 : i32
    %swap3A_62 = arith.index_cast %swap3A_61 : i32 to index
    %swap3A_63 = arith.constant 48 : index
    %swap3A_64 = tpu.vector_load %arg5[%swap3A_62, %swap3A_63] {strides = array<i32>} : memref<4x128xi32, #tpu.memory_space<vmem>>, vector<1x16xi32>,
    %swap3A_65 = vector.shape_cast %swap3A_64 : vector<1x16xi32> to vector<16xi32>
    %swap3A_66 = vector.shape_cast %max3A_60 : vector<16xi32> to vector<1x16xi32>
    tpu.vector_store %arg5[%swap3A_62, %swap3A_63], %swap3A_66 {strides = array<i32>} : memref<4x128xi32, #tpu.memory_space<vmem>>, vector<1x16xi32>,
    %get3A_67 = arith.constant 0 : i32
    %get3A_68 = arith.index_cast %get3A_67 : i32 to index
    %get3A_69 = arith.constant 64 : index
    %get3A_70 = tpu.vector_load %arg5[%get3A_68, %get3A_69] {strides = array<i32>} : memref<4x128xi32, #tpu.memory_space<vmem>>, vector<1x16xi32>,
    %get3A_71 = vector.shape_cast %get3A_70 : vector<1x16xi32> to vector<16xi32>
    %sub3A_72 = arith.constant 1 : i32
    %sub3A_73 = vector.broadcast %sub3A_72 : i32 to vector<16xi32>
    %sub3A_74 = arith.subi %get3A_71, %sub3A_73 : vector<16xi32>
    %max3A_75 = arith.constant 0 : i32
    %max3A_76 = vector.broadcast %max3A_75 : i32 to vector<16xi32>
    %max3A_77 = arith.maxsi %sub3A_74, %max3A_76 : vector<16xi32>
    %swap3A_78 = arith.constant 0 : i32
    %swap3A_79 = arith.index_cast %swap3A_78 : i32 to index
    %swap3A_80 = arith.constant 64 : index
    %swap3A_81 = tpu.vector_load %arg5[%swap3A_79, %swap3A_80] {strides = array<i32>} : memref<4x128xi32, #tpu.memory_space<vmem>>, vector<1x16xi32>,
    %swap3A_82 = vector.shape_cast %swap3A_81 : vector<1x16xi32> to vector<16xi32>
    %swap3A_83 = vector.shape_cast %max3A_77 : vector<16xi32> to vector<1x16xi32>
    tpu.vector_store %arg5[%swap3A_79, %swap3A_80], %swap3A_83 {strides = array<i32>} : memref<4x128xi32, #tpu.memory_space<vmem>>, vector<1x16xi32>,
    %get3A_84 = arith.constant 0 : i32
    %get3A_85 = arith.index_cast %get3A_84 : i32 to index
    %get3A_86 = arith.constant 80 : index
    %get3A_87 = tpu.vector_load %arg5[%get3A_85, %get3A_86] {strides = array<i32>} : memref<4x128xi32, #tpu.memory_space<vmem>>, vector<1x16xi32>,
    %get3A_88 = vector.shape_cast %get3A_87 : vector<1x16xi32> to vector<16xi32>
    %sub3A_89 = arith.constant 1 : i32
    %sub3A_90 = vector.broadcast %sub3A_89 : i32 to vector<16xi32>
    %sub3A_91 = arith.subi %get3A_88, %sub3A_90 : vector<16xi32>
    %max3A_92 = arith.constant 0 : i32
    %max3A_93 = vector.broadcast %max3A_92 : i32 to vector<16xi32>
    %max3A_94 = arith.maxsi %sub3A_91, %max3A_93 : vector<16xi32>
    %swap3A_95 = arith.constant 0 : i32
    %swap3A_96 = arith.index_cast %swap3A_95 : i32 to index
    %swap3A_97 = arith.constant 80 : index
    %swap3A_98 = tpu.vector_load %arg5[%swap3A_96, %swap3A_97] {strides = array<i32>} : memref<4x128xi32, #tpu.memory_space<vmem>>, vector<1x16xi32>,
    %swap3A_99 = vector.shape_cast %swap3A_98 : vector<1x16xi32> to vector<16xi32>
    %swap3A_100 = vector.shape_cast %max3A_94 : vector<16xi32> to vector<1x16xi32>
    tpu.vector_store %arg5[%swap3A_96, %swap3A_97], %swap3A_100 {strides = array<i32>} : memref<4x128xi32, #tpu.memory_space<vmem>>, vector<1x16xi32>,
    %get3A_101 = arith.constant 0 : i32
    %get3A_102 = arith.index_cast %get3A_101 : i32 to index
    %get3A_103 = arith.constant 96 : index
    %get3A_104 = tpu.vector_load %arg5[%get3A_102, %get3A_103] {strides = array<i32>} : memref<4x128xi32, #tpu.memory_space<vmem>>, vector<1x16xi32>,
    %get3A_105 = vector.shape_cast %get3A_104 : vector<1x16xi32> to vector<16xi32>
    %sub3A_106 = arith.constant 1 : i32
    %sub3A_107 = vector.broadcast %sub3A_106 : i32 to vector<16xi32>
    %sub3A_108 = arith.subi %get3A_105, %sub3A_107 : vector<16xi32>
    %max3A_109 = arith.constant 0 : i32
    %max3A_110 = vector.broadcast %max3A_109 : i32 to vector<16xi32>
    %max3A_111 = arith.maxsi %sub3A_108, %max3A_110 : vector<16xi32>
    %swap3A_112 = arith.constant 0 : i32
    %swap3A_113 = arith.index_cast %swap3A_112 : i32 to index
    %swap3A_114 = arith.constant 96 : index
    %swap3A_115 = tpu.vector_load %arg5[%swap3A_113, %swap3A_114] {strides = array<i32>} : memref<4x128xi32, #tpu.memory_space<vmem>>, vector<1x16xi32>,
    %swap3A_116 = vector.shape_cast %swap3A_115 : vector<1x16xi32> to vector<16xi32>
    %swap3A_117 = vector.shape_cast %max3A_111 : vector<16xi32> to vector<1x16xi32>
    tpu.vector_store %arg5[%swap3A_113, %swap3A_114], %swap3A_117 {strides = array<i32>} : memref<4x128xi32, #tpu.memory_space<vmem>>, vector<1x16xi32>,
    %get3A_118 = arith.constant 0 : i32
    %get3A_119 = arith.index_cast %get3A_118 : i32 to index
    %get3A_120 = arith.constant 112 : index
    %get3A_121 = tpu.vector_load %arg5[%get3A_119, %get3A_120] {strides = array<i32>} : memref<4x128xi32, #tpu.memory_space<vmem>>, vector<1x16xi32>,
    %get3A_122 = vector.shape_cast %get3A_121 : vector<1x16xi32> to vector<16xi32>
    %sub3A_123 = arith.constant 1 : i32
    %sub3A_124 = vector.broadcast %sub3A_123 : i32 to vector<16xi32>
    %sub3A_125 = arith.subi %get3A_122, %sub3A_124 : vector<16xi32>
    %max3A_126 = arith.constant 0 : i32
    %max3A_127 = vector.broadcast %max3A_126 : i32 to vector<16xi32>
    %max3A_128 = arith.maxsi %sub3A_125, %max3A_127 : vector<16xi32>
    %swap3A_129 = arith.constant 0 : i32
    %swap3A_130 = arith.index_cast %swap3A_129 : i32 to index
    %swap3A_131 = arith.constant 112 : index
    %swap3A_132 = tpu.vector_load %arg5[%swap3A_130, %swap3A_131] {strides = array<i32>} : memref<4x128xi32, #tpu.memory_space<vmem>>, vector<1x16xi32>,
    %swap3A_133 = vector.shape_cast %swap3A_132 : vector<1x16xi32> to vector<16xi32>
    %swap3A_134 = vector.shape_cast %max3A_128 : vector<16xi32> to vector<1x16xi32>
    tpu.vector_store %arg5[%swap3A_130, %swap3A_131], %swap3A_134 {strides = array<i32>} : memref<4x128xi32, #tpu.memory_space<vmem>>, vector<1x16xi32>,
    %get3A_135 = arith.constant 1 : i32
    %get3A_136 = arith.index_cast %get3A_135 : i32 to index
    %get3A_137 = arith.constant 0 : index
    %get3A_138 = tpu.vector_load %arg5[%get3A_136, %get3A_137] {strides = array<i32>} : memref<4x128xi32, #tpu.memory_space<vmem>>, vector<1x16xi32>,
    %get3A_139 = vector.shape_cast %get3A_138 : vector<1x16xi32> to vector<16xi32>
    %sub3A_140 = arith.constant 1 : i32
    %sub3A_141 = vector.broadcast %sub3A_140 : i32 to vector<16xi32>
    %sub3A_142 = arith.subi %get3A_139, %sub3A_141 : vector<16xi32>
    %max3A_143 = arith.constant 0 : i32
    %max3A_144 = vector.broadcast %max3A_143 : i32 to vector<16xi32>
    %max3A_145 = arith.maxsi %sub3A_142, %max3A_144 : vector<16xi32>
    %swap3A_146 = arith.constant 1 : i32
    %swap3A_147 = arith.index_cast %swap3A_146 : i32 to index
    %swap3A_148 = arith.constant 0 : index
    %swap3A_149 = tpu.vector_load %arg5[%swap3A_147, %swap3A_148] {strides = array<i32>} : memref<4x128xi32, #tpu.memory_space<vmem>>, vector<1x16xi32>,
    %swap3A_150 = vector.shape_cast %swap3A_149 : vector<1x16xi32> to vector<16xi32>
    %swap3A_151 = vector.shape_cast %max3A_145 : vector<16xi32> to vector<1x16xi32>
    tpu.vector_store %arg5[%swap3A_147, %swap3A_148], %swap3A_151 {strides = array<i32>} : memref<4x128xi32, #tpu.memory_space<vmem>>, vector<1x16xi32>,
    %get3A_152 = arith.constant 1 : i32
    %get3A_153 = arith.index_cast %get3A_152 : i32 to index
    %get3A_154 = arith.constant 16 : index
    %get3A_155 = tpu.vector_load %arg5[%get3A_153, %get3A_154] {strides = array<i32>} : memref<4x128xi32, #tpu.memory_space<vmem>>, vector<1x16xi32>,
    %get3A_156 = vector.shape_cast %get3A_155 : vector<1x16xi32> to vector<16xi32>
    %sub3A_157 = arith.constant 1 : i32
    %sub3A_158 = vector.broadcast %sub3A_157 : i32 to vector<16xi32>
    %sub3A_159 = arith.subi %get3A_156, %sub3A_158 : vector<16xi32>
    %max3A_160 = arith.constant 0 : i32
    %max3A_161 = vector.broadcast %max3A_160 : i32 to vector<16xi32>
    %max3A_162 = arith.maxsi %sub3A_159, %max3A_161 : vector<16xi32>
    %swap3A_163 = arith.constant 1 : i32
    %swap3A_164 = arith.index_cast %swap3A_163 : i32 to index
    %swap3A_165 = arith.constant 16 : index
    %swap3A_166 = tpu.vector_load %arg5[%swap3A_164, %swap3A_165] {strides = array<i32>} : memref<4x128xi32, #tpu.memory_space<vmem>>, vector<1x16xi32>,
    %swap3A_167 = vector.shape_cast %swap3A_166 : vector<1x16xi32> to vector<16xi32>
    %swap3A_168 = vector.shape_cast %max3A_162 : vector<16xi32> to vector<1x16xi32>
    tpu.vector_store %arg5[%swap3A_164, %swap3A_165], %swap3A_168 {strides = array<i32>} : memref<4x128xi32, #tpu.memory_space<vmem>>, vector<1x16xi32>,
    %get3A_169 = arith.constant 1 : i32
    %get3A_170 = arith.index_cast %get3A_169 : i32 to index
    %get3A_171 = arith.constant 32 : index
    %get3A_172 = tpu.vector_load %arg5[%get3A_170, %get3A_171] {strides = array<i32>} : memref<4x128xi32, #tpu.memory_space<vmem>>, vector<1x16xi32>,
    %get3A_173 = vector.shape_cast %get3A_172 : vector<1x16xi32> to vector<16xi32>
    %sub3A_174 = arith.constant 1 : i32
    %sub3A_175 = vector.broadcast %sub3A_174 : i32 to vector<16xi32>
    %sub3A_176 = arith.subi %get3A_173, %sub3A_175 : vector<16xi32>
    %max3A_177 = arith.constant 0 : i32
    %max3A_178 = vector.broadcast %max3A_177 : i32 to vector<16xi32>
    %max3A_179 = arith.maxsi %sub3A_176, %max3A_178 : vector<16xi32>
    %swap3A_180 = arith.constant 1 : i32
    %swap3A_181 = arith.index_cast %swap3A_180 : i32 to index
    %swap3A_182 = arith.constant 32 : index
    %swap3A_183 = tpu.vector_load %arg5[%swap3A_181, %swap3A_182] {strides = array<i32>} : memref<4x128xi32, #tpu.memory_space<vmem>>, vector<1x16xi32>,
    %swap3A_184 = vector.shape_cast %swap3A_183 : vector<1x16xi32> to vector<16xi32>
    %swap3A_185 = vector.shape_cast %max3A_179 : vector<16xi32> to vector<1x16xi32>
    tpu.vector_store %arg5[%swap3A_181, %swap3A_182], %swap3A_185 {strides = array<i32>} : memref<4x128xi32, #tpu.memory_space<vmem>>, vector<1x16xi32>,
    %get3A_186 = arith.constant 1 : i32
    %get3A_187 = arith.index_cast %get3A_186 : i32 to index
    %get3A_188 = arith.constant 48 : index
    %get3A_189 = tpu.vector_load %arg5[%get3A_187, %get3A_188] {strides = array<i32>} : memref<4x128xi32, #tpu.memory_space<vmem>>, vector<1x16xi32>,
    %get3A_190 = vector.shape_cast %get3A_189 : vector<1x16xi32> to vector<16xi32>
    %sub3A_191 = arith.constant 1 : i32
    %sub3A_192 = vector.broadcast %sub3A_191 : i32 to vector<16xi32>
    %sub3A_193 = arith.subi %get3A_190, %sub3A_192 : vector<16xi32>
    %max3A_194 = arith.constant 0 : i32
    %max3A_195 = vector.broadcast %max3A_194 : i32 to vector<16xi32>
    %max3A_196 = arith.maxsi %sub3A_193, %max3A_195 : vector<16xi32>
    %swap3A_197 = arith.constant 1 : i32
    %swap3A_198 = arith.index_cast %swap3A_197 : i32 to index
    %swap3A_199 = arith.constant 48 : index
    %swap3A_200 = tpu.vector_load %arg5[%swap3A_198, %swap3A_199] {strides = array<i32>} : memref<4x128xi32, #tpu.memory_space<vmem>>, vector<1x16xi32>,
    %swap3A_201 = vector.shape_cast %swap3A_200 : vector<1x16xi32> to vector<16xi32>
    %swap3A_202 = vector.shape_cast %max3A_196 : vector<16xi32> to vector<1x16xi32>
    tpu.vector_store %arg5[%swap3A_198, %swap3A_199], %swap3A_202 {strides = array<i32>} : memref<4x128xi32, #tpu.memory_space<vmem>>, vector<1x16xi32>,
    %get3A_203 = arith.constant 1 : i32
    %get3A_204 = arith.index_cast %get3A_203 : i32 to index
    %get3A_205 = arith.constant 64 : index
    %get3A_206 = tpu.vector_load %arg5[%get3A_204, %get3A_205] {strides = array<i32>} : memref<4x128xi32, #tpu.memory_space<vmem>>, vector<1x16xi32>,
    %get3A_207 = vector.shape_cast %get3A_206 : vector<1x16xi32> to vector<16xi32>
    %sub3A_208 = arith.constant 1 : i32
    %sub3A_209 = vector.broadcast %sub3A_208 : i32 to vector<16xi32>
    %sub3A_210 = arith.subi %get3A_207, %sub3A_209 : vector<16xi32>
    %max3A_211 = arith.constant 0 : i32
    %max3A_212 = vector.broadcast %max3A_211 : i32 to vector<16xi32>
    %max3A_213 = arith.maxsi %sub3A_210, %max3A_212 : vector<16xi32>
    %swap3A_214 = arith.constant 1 : i32
    %swap3A_215 = arith.index_cast %swap3A_214 : i32 to index
    %swap3A_216 = arith.constant 64 : index
    %swap3A_217 = tpu.vector_load %arg5[%swap3A_215, %swap3A_216] {strides = array<i32>} : memref<4x128xi32, #tpu.memory_space<vmem>>, vector<1x16xi32>,
    %swap3A_218 = vector.shape_cast %swap3A_217 : vector<1x16xi32> to vector<16xi32>
    %swap3A_219 = vector.shape_cast %max3A_213 : vector<16xi32> to vector<1x16xi32>
    tpu.vector_store %arg5[%swap3A_215, %swap3A_216], %swap3A_219 {strides = array<i32>} : memref<4x128xi32, #tpu.memory_space<vmem>>, vector<1x16xi32>,
    %get3A_220 = arith.constant 1 : i32
    %get3A_221 = arith.index_cast %get3A_220 : i32 to index
    %get3A_222 = arith.constant 80 : index
    %get3A_223 = tpu.vector_load %arg5[%get3A_221, %get3A_222] {strides = array<i32>} : memref<4x128xi32, #tpu.memory_space<vmem>>, vector<1x16xi32>,
    %get3A_224 = vector.shape_cast %get3A_223 : vector<1x16xi32> to vector<16xi32>
    %sub3A_225 = arith.constant 1 : i32
    %sub3A_226 = vector.broadcast %sub3A_225 : i32 to vector<16xi32>
    %sub3A_227 = arith.subi %get3A_224, %sub3A_226 : vector<16xi32>
    %max3A_228 = arith.constant 0 : i32
    %max3A_229 = vector.broadcast %max3A_228 : i32 to vector<16xi32>
    %max3A_230 = arith.maxsi %sub3A_227, %max3A_229 : vector<16xi32>
    %swap3A_231 = arith.constant 1 : i32
    %swap3A_232 = arith.index_cast %swap3A_231 : i32 to index
    %swap3A_233 = arith.constant 80 : index
    %swap3A_234 = tpu.vector_load %arg5[%swap3A_232, %swap3A_233] {strides = array<i32>} : memref<4x128xi32, #tpu.memory_space<vmem>>, vector<1x16xi32>,
    %swap3A_235 = vector.shape_cast %swap3A_234 : vector<1x16xi32> to vector<16xi32>
    %swap3A_236 = vector.shape_cast %max3A_230 : vector<16xi32> to vector<1x16xi32>
    tpu.vector_store %arg5[%swap3A_232, %swap3A_233], %swap3A_236 {strides = array<i32>} : memref<4x128xi32, #tpu.memory_space<vmem>>, vector<1x16xi32>,
    %get3A_237 = arith.constant 1 : i32
    %get3A_238 = arith.index_cast %get3A_237 : i32 to index
    %get3A_239 = arith.constant 96 : index
    %get3A_240 = tpu.vector_load %arg5[%get3A_238, %get3A_239] {strides = array<i32>} : memref<4x128xi32, #tpu.memory_space<vmem>>, vector<1x16xi32>,
    %get3A_241 = vector.shape_cast %get3A_240 : vector<1x16xi32> to vector<16xi32>
    %sub3A_242 = arith.constant 1 : i32
    %sub3A_243 = vector.broadcast %sub3A_242 : i32 to vector<16xi32>
    %sub3A_244 = arith.subi %get3A_241, %sub3A_243 : vector<16xi32>
    %max3A_245 = arith.constant 0 : i32
    %max3A_246 = vector.broadcast %max3A_245 : i32 to vector<16xi32>
    %max3A_247 = arith.maxsi %sub3A_244, %max3A_246 : vector<16xi32>
    %swap3A_248 = arith.constant 1 : i32
    %swap3A_249 = arith.index_cast %swap3A_248 : i32 to index
    %swap3A_250 = arith.constant 96 : index
    %swap3A_251 = tpu.vector_load %arg5[%swap3A_249, %swap3A_250] {strides = array<i32>} : memref<4x128xi32, #tpu.memory_space<vmem>>, vector<1x16xi32>,
    %swap3A_252 = vector.shape_cast %swap3A_251 : vector<1x16xi32> to vector<16xi32>
    %swap3A_253 = vector.shape_cast %max3A_247 : vector<16xi32> to vector<1x16xi32>
    tpu.vector_store %arg5[%swap3A_249, %swap3A_250], %swap3A_253 {strides = array<i32>} : memref<4x128xi32, #tpu.memory_space<vmem>>, vector<1x16xi32>,
    %get3A_254 = arith.constant 1 : i32
    %get3A_255 = arith.index_cast %get3A_254 : i32 to index
    %get3A_256 = arith.constant 112 : index
    %get3A_257 = tpu.vector_load %arg5[%get3A_255, %get3A_256] {strides = array<i32>} : memref<4x128xi32, #tpu.memory_space<vmem>>, vector<1x16xi32>,
    %get3A_258 = vector.shape_cast %get3A_257 : vector<1x16xi32> to vector<16xi32>
    %sub3A_259 = arith.constant 1 : i32
    %sub3A_260 = vector.broadcast %sub3A_259 : i32 to vector<16xi32>
    %sub3A_261 = arith.subi %get3A_258, %sub3A_260 : vector<16xi32>
    %max3A_262 = arith.constant 0 : i32
    %max3A_263 = vector.broadcast %max3A_262 : i32 to vector<16xi32>
    %max3A_264 = arith.maxsi %sub3A_261, %max3A_263 : vector<16xi32>
    %swap3A_265 = arith.constant 1 : i32
    %swap3A_266 = arith.index_cast %swap3A_265 : i32 to index
    %swap3A_267 = arith.constant 112 : index
    %swap3A_268 = tpu.vector_load %arg5[%swap3A_266, %swap3A_267] {strides = array<i32>} : memref<4x128xi32, #tpu.memory_space<vmem>>, vector<1x16xi32>,
    %swap3A_269 = vector.shape_cast %swap3A_268 : vector<1x16xi32> to vector<16xi32>
    %swap3A_270 = vector.shape_cast %max3A_264 : vector<16xi32> to vector<1x16xi32>
    tpu.vector_store %arg5[%swap3A_266, %swap3A_267], %swap3A_270 {strides = array<i32>} : memref<4x128xi32, #tpu.memory_space<vmem>>, vector<1x16xi32>,
    %get3A_271 = arith.constant 2 : i32
    %get3A_272 = arith.index_cast %get3A_271 : i32 to index
    %get3A_273 = arith.constant 0 : index
    %get3A_274 = tpu.vector_load %arg5[%get3A_272, %get3A_273] {strides = array<i32>} : memref<4x128xi32, #tpu.memory_space<vmem>>, vector<1x16xi32>,
    %get3A_275 = vector.shape_cast %get3A_274 : vector<1x16xi32> to vector<16xi32>
    %sub3A_276 = arith.constant 1 : i32
    %sub3A_277 = vector.broadcast %sub3A_276 : i32 to vector<16xi32>
    %sub3A_278 = arith.subi %get3A_275, %sub3A_277 : vector<16xi32>
    %max3A_279 = arith.constant 0 : i32
    %max3A_280 = vector.broadcast %max3A_279 : i32 to vector<16xi32>
    %max3A_281 = arith.maxsi %sub3A_278, %max3A_280 : vector<16xi32>
    %swap3A_282 = arith.constant 2 : i32
    %swap3A_283 = arith.index_cast %swap3A_282 : i32 to index
    %swap3A_284 = arith.constant 0 : index
    %swap3A_285 = tpu.vector_load %arg5[%swap3A_283, %swap3A_284] {strides = array<i32>} : memref<4x128xi32, #tpu.memory_space<vmem>>, vector<1x16xi32>,
    %swap3A_286 = vector.shape_cast %swap3A_285 : vector<1x16xi32> to vector<16xi32>
    %swap3A_287 = vector.shape_cast %max3A_281 : vector<16xi32> to vector<1x16xi32>
    tpu.vector_store %arg5[%swap3A_283, %swap3A_284], %swap3A_287 {strides = array<i32>} : memref<4x128xi32, #tpu.memory_space<vmem>>, vector<1x16xi32>,
    %get3A_288 = arith.constant 2 : i32
    %get3A_289 = arith.index_cast %get3A_288 : i32 to index
    %get3A_290 = arith.constant 16 : index
    %get3A_291 = tpu.vector_load %arg5[%get3A_289, %get3A_290] {strides = array<i32>} : memref<4x128xi32, #tpu.memory_space<vmem>>, vector<1x16xi32>,
    %get3A_292 = vector.shape_cast %get3A_291 : vector<1x16xi32> to vector<16xi32>
    %sub3A_293 = arith.constant 1 : i32
    %sub3A_294 = vector.broadcast %sub3A_293 : i32 to vector<16xi32>
    %sub3A_295 = arith.subi %get3A_292, %sub3A_294 : vector<16xi32>
    %max3A_296 = arith.constant 0 : i32
    %max3A_297 = vector.broadcast %max3A_296 : i32 to vector<16xi32>
    %max3A_298 = arith.maxsi %sub3A_295, %max3A_297 : vector<16xi32>
    %swap3A_299 = arith.constant 2 : i32
    %swap3A_300 = arith.index_cast %swap3A_299 : i32 to index
    %swap3A_301 = arith.constant 16 : index
    %swap3A_302 = tpu.vector_load %arg5[%swap3A_300, %swap3A_301] {strides = array<i32>} : memref<4x128xi32, #tpu.memory_space<vmem>>, vector<1x16xi32>,
    %swap3A_303 = vector.shape_cast %swap3A_302 : vector<1x16xi32> to vector<16xi32>
    %swap3A_304 = vector.shape_cast %max3A_298 : vector<16xi32> to vector<1x16xi32>
    tpu.vector_store %arg5[%swap3A_300, %swap3A_301], %swap3A_304 {strides = array<i32>} : memref<4x128xi32, #tpu.memory_space<vmem>>, vector<1x16xi32>,
    %get3A_305 = arith.constant 2 : i32
    %get3A_306 = arith.index_cast %get3A_305 : i32 to index
    %get3A_307 = arith.constant 32 : index
    %get3A_308 = tpu.vector_load %arg5[%get3A_306, %get3A_307] {strides = array<i32>} : memref<4x128xi32, #tpu.memory_space<vmem>>, vector<1x16xi32>,
    %get3A_309 = vector.shape_cast %get3A_308 : vector<1x16xi32> to vector<16xi32>
    %sub3A_310 = arith.constant 1 : i32
    %sub3A_311 = vector.broadcast %sub3A_310 : i32 to vector<16xi32>
    %sub3A_312 = arith.subi %get3A_309, %sub3A_311 : vector<16xi32>
    %max3A_313 = arith.constant 0 : i32
    %max3A_314 = vector.broadcast %max3A_313 : i32 to vector<16xi32>
    %max3A_315 = arith.maxsi %sub3A_312, %max3A_314 : vector<16xi32>
    %swap3A_316 = arith.constant 2 : i32
    %swap3A_317 = arith.index_cast %swap3A_316 : i32 to index
    %swap3A_318 = arith.constant 32 : index
    %swap3A_319 = tpu.vector_load %arg5[%swap3A_317, %swap3A_318] {strides = array<i32>} : memref<4x128xi32, #tpu.memory_space<vmem>>, vector<1x16xi32>,
    %swap3A_320 = vector.shape_cast %swap3A_319 : vector<1x16xi32> to vector<16xi32>
    %swap3A_321 = vector.shape_cast %max3A_315 : vector<16xi32> to vector<1x16xi32>
    tpu.vector_store %arg5[%swap3A_317, %swap3A_318], %swap3A_321 {strides = array<i32>} : memref<4x128xi32, #tpu.memory_space<vmem>>, vector<1x16xi32>,
    %get3A_322 = arith.constant 2 : i32
    %get3A_323 = arith.index_cast %get3A_322 : i32 to index
    %get3A_324 = arith.constant 48 : index
    %get3A_325 = tpu.vector_load %arg5[%get3A_323, %get3A_324] {strides = array<i32>} : memref<4x128xi32, #tpu.memory_space<vmem>>, vector<1x16xi32>,
    %get3A_326 = vector.shape_cast %get3A_325 : vector<1x16xi32> to vector<16xi32>
    %sub3A_327 = arith.constant 1 : i32
    %sub3A_328 = vector.broadcast %sub3A_327 : i32 to vector<16xi32>
    %sub3A_329 = arith.subi %get3A_326, %sub3A_328 : vector<16xi32>
    %max3A_330 = arith.constant 0 : i32
    %max3A_331 = vector.broadcast %max3A_330 : i32 to vector<16xi32>
    %max3A_332 = arith.maxsi %sub3A_329, %max3A_331 : vector<16xi32>
    %swap3A_333 = arith.constant 2 : i32
    %swap3A_334 = arith.index_cast %swap3A_333 : i32 to index
    %swap3A_335 = arith.constant 48 : index
    %swap3A_336 = tpu.vector_load %arg5[%swap3A_334, %swap3A_335] {strides = array<i32>} : memref<4x128xi32, #tpu.memory_space<vmem>>, vector<1x16xi32>,
    %swap3A_337 = vector.shape_cast %swap3A_336 : vector<1x16xi32> to vector<16xi32>
    %swap3A_338 = vector.shape_cast %max3A_332 : vector<16xi32> to vector<1x16xi32>
    tpu.vector_store %arg5[%swap3A_334, %swap3A_335], %swap3A_338 {strides = array<i32>} : memref<4x128xi32, #tpu.memory_space<vmem>>, vector<1x16xi32>,
    %get3A_339 = arith.constant 2 : i32
    %get3A_340 = arith.index_cast %get3A_339 : i32 to index
    %get3A_341 = arith.constant 64 : index
    %get3A_342 = tpu.vector_load %arg5[%get3A_340, %get3A_341] {strides = array<i32>} : memref<4x128xi32, #tpu.memory_space<vmem>>, vector<1x16xi32>,
    %get3A_343 = vector.shape_cast %get3A_342 : vector<1x16xi32> to vector<16xi32>
    %sub3A_344 = arith.constant 1 : i32
    %sub3A_345 = vector.broadcast %sub3A_344 : i32 to vector<16xi32>
    %sub3A_346 = arith.subi %get3A_343, %sub3A_345 : vector<16xi32>
    %max3A_347 = arith.constant 0 : i32
    %max3A_348 = vector.broadcast %max3A_347 : i32 to vector<16xi32>
    %max3A_349 = arith.maxsi %sub3A_346, %max3A_348 : vector<16xi32>
    %swap3A_350 = arith.constant 2 : i32
    %swap3A_351 = arith.index_cast %swap3A_350 : i32 to index
    %swap3A_352 = arith.constant 64 : index
    %swap3A_353 = tpu.vector_load %arg5[%swap3A_351, %swap3A_352] {strides = array<i32>} : memref<4x128xi32, #tpu.memory_space<vmem>>, vector<1x16xi32>,
    %swap3A_354 = vector.shape_cast %swap3A_353 : vector<1x16xi32> to vector<16xi32>
    %swap3A_355 = vector.shape_cast %max3A_349 : vector<16xi32> to vector<1x16xi32>
    tpu.vector_store %arg5[%swap3A_351, %swap3A_352], %swap3A_355 {strides = array<i32>} : memref<4x128xi32, #tpu.memory_space<vmem>>, vector<1x16xi32>,
    %get3A_356 = arith.constant 2 : i32
    %get3A_357 = arith.index_cast %get3A_356 : i32 to index
    %get3A_358 = arith.constant 80 : index
    %get3A_359 = tpu.vector_load %arg5[%get3A_357, %get3A_358] {strides = array<i32>} : memref<4x128xi32, #tpu.memory_space<vmem>>, vector<1x16xi32>,
    %get3A_360 = vector.shape_cast %get3A_359 : vector<1x16xi32> to vector<16xi32>
    %sub3A_361 = arith.constant 1 : i32
    %sub3A_362 = vector.broadcast %sub3A_361 : i32 to vector<16xi32>
    %sub3A_363 = arith.subi %get3A_360, %sub3A_362 : vector<16xi32>
    %max3A_364 = arith.constant 0 : i32
    %max3A_365 = vector.broadcast %max3A_364 : i32 to vector<16xi32>
    %max3A_366 = arith.maxsi %sub3A_363, %max3A_365 : vector<16xi32>
    %swap3A_367 = arith.constant 2 : i32
    %swap3A_368 = arith.index_cast %swap3A_367 : i32 to index
    %swap3A_369 = arith.constant 80 : index
    %swap3A_370 = tpu.vector_load %arg5[%swap3A_368, %swap3A_369] {strides = array<i32>} : memref<4x128xi32, #tpu.memory_space<vmem>>, vector<1x16xi32>,
    %swap3A_371 = vector.shape_cast %swap3A_370 : vector<1x16xi32> to vector<16xi32>
    %swap3A_372 = vector.shape_cast %max3A_366 : vector<16xi32> to vector<1x16xi32>
    tpu.vector_store %arg5[%swap3A_368, %swap3A_369], %swap3A_372 {strides = array<i32>} : memref<4x128xi32, #tpu.memory_space<vmem>>, vector<1x16xi32>,
    %get3A_373 = arith.constant 2 : i32
    %get3A_374 = arith.index_cast %get3A_373 : i32 to index
    %get3A_375 = arith.constant 96 : index
    %get3A_376 = tpu.vector_load %arg5[%get3A_374, %get3A_375] {strides = array<i32>} : memref<4x128xi32, #tpu.memory_space<vmem>>, vector<1x16xi32>,
    %get3A_377 = vector.shape_cast %get3A_376 : vector<1x16xi32> to vector<16xi32>
    %sub3A_378 = arith.constant 1 : i32
    %sub3A_379 = vector.broadcast %sub3A_378 : i32 to vector<16xi32>
    %sub3A_380 = arith.subi %get3A_377, %sub3A_379 : vector<16xi32>
    %max3A_381 = arith.constant 0 : i32
    %max3A_382 = vector.broadcast %max3A_381 : i32 to vector<16xi32>
    %max3A_383 = arith.maxsi %sub3A_380, %max3A_382 : vector<16xi32>
    %swap3A_384 = arith.constant 2 : i32
    %swap3A_385 = arith.index_cast %swap3A_384 : i32 to index
    %swap3A_386 = arith.constant 96 : index
    %swap3A_387 = tpu.vector_load %arg5[%swap3A_385, %swap3A_386] {strides = array<i32>} : memref<4x128xi32, #tpu.memory_space<vmem>>, vector<1x16xi32>,
    %swap3A_388 = vector.shape_cast %swap3A_387 : vector<1x16xi32> to vector<16xi32>
    %swap3A_389 = vector.shape_cast %max3A_383 : vector<16xi32> to vector<1x16xi32>
    tpu.vector_store %arg5[%swap3A_385, %swap3A_386], %swap3A_389 {strides = array<i32>} : memref<4x128xi32, #tpu.memory_space<vmem>>, vector<1x16xi32>,
    %get3A_390 = arith.constant 2 : i32
    %get3A_391 = arith.index_cast %get3A_390 : i32 to index
    %get3A_392 = arith.constant 112 : index
    %get3A_393 = tpu.vector_load %arg5[%get3A_391, %get3A_392] {strides = array<i32>} : memref<4x128xi32, #tpu.memory_space<vmem>>, vector<1x16xi32>,
    %get3A_394 = vector.shape_cast %get3A_393 : vector<1x16xi32> to vector<16xi32>
    %sub3A_395 = arith.constant 1 : i32
    %sub3A_396 = vector.broadcast %sub3A_395 : i32 to vector<16xi32>
    %sub3A_397 = arith.subi %get3A_394, %sub3A_396 : vector<16xi32>
    %max3A_398 = arith.constant 0 : i32
    %max3A_399 = vector.broadcast %max3A_398 : i32 to vector<16xi32>
    %max3A_400 = arith.maxsi %sub3A_397, %max3A_399 : vector<16xi32>
    %swap3A_401 = arith.constant 2 : i32
    %swap3A_402 = arith.index_cast %swap3A_401 : i32 to index
    %swap3A_403 = arith.constant 112 : index
    %swap3A_404 = tpu.vector_load %arg5[%swap3A_402, %swap3A_403] {strides = array<i32>} : memref<4x128xi32, #tpu.memory_space<vmem>>, vector<1x16xi32>,
    %swap3A_405 = vector.shape_cast %swap3A_404 : vector<1x16xi32> to vector<16xi32>
    %swap3A_406 = vector.shape_cast %max3A_400 : vector<16xi32> to vector<1x16xi32>
    tpu.vector_store %arg5[%swap3A_402, %swap3A_403], %swap3A_406 {strides = array<i32>} : memref<4x128xi32, #tpu.memory_space<vmem>>, vector<1x16xi32>,
    %get3A_407 = arith.constant 3 : i32
    %get3A_408 = arith.index_cast %get3A_407 : i32 to index
    %get3A_409 = arith.constant 0 : index
    %get3A_410 = tpu.vector_load %arg5[%get3A_408, %get3A_409] {strides = array<i32>} : memref<4x128xi32, #tpu.memory_space<vmem>>, vector<1x16xi32>,
    %get3A_411 = vector.shape_cast %get3A_410 : vector<1x16xi32> to vector<16xi32>
    %sub3A_412 = arith.constant 1 : i32
    %sub3A_413 = vector.broadcast %sub3A_412 : i32 to vector<16xi32>
    %sub3A_414 = arith.subi %get3A_411, %sub3A_413 : vector<16xi32>
    %max3A_415 = arith.constant 0 : i32
    %max3A_416 = vector.broadcast %max3A_415 : i32 to vector<16xi32>
    %max3A_417 = arith.maxsi %sub3A_414, %max3A_416 : vector<16xi32>
    %swap3A_418 = arith.constant 3 : i32
    %swap3A_419 = arith.index_cast %swap3A_418 : i32 to index
    %swap3A_420 = arith.constant 0 : index
    %swap3A_421 = tpu.vector_load %arg5[%swap3A_419, %swap3A_420] {strides = array<i32>} : memref<4x128xi32, #tpu.memory_space<vmem>>, vector<1x16xi32>,
    %swap3A_422 = vector.shape_cast %swap3A_421 : vector<1x16xi32> to vector<16xi32>
    %swap3A_423 = vector.shape_cast %max3A_417 : vector<16xi32> to vector<1x16xi32>
    tpu.vector_store %arg5[%swap3A_419, %swap3A_420], %swap3A_423 {strides = array<i32>} : memref<4x128xi32, #tpu.memory_space<vmem>>, vector<1x16xi32>,
    %get3A_424 = arith.constant 3 : i32
    %get3A_425 = arith.index_cast %get3A_424 : i32 to index
    %get3A_426 = arith.constant 16 : index
    %get3A_427 = tpu.vector_load %arg5[%get3A_425, %get3A_426] {strides = array<i32>} : memref<4x128xi32, #tpu.memory_space<vmem>>, vector<1x16xi32>,
    %get3A_428 = vector.shape_cast %get3A_427 : vector<1x16xi32> to vector<16xi32>
    %sub3A_429 = arith.constant 1 : i32
    %sub3A_430 = vector.broadcast %sub3A_429 : i32 to vector<16xi32>
    %sub3A_431 = arith.subi %get3A_428, %sub3A_430 : vector<16xi32>
    %max3A_432 = arith.constant 0 : i32
    %max3A_433 = vector.broadcast %max3A_432 : i32 to vector<16xi32>
    %max3A_434 = arith.maxsi %sub3A_431, %max3A_433 : vector<16xi32>
    %swap3A_435 = arith.constant 3 : i32
    %swap3A_436 = arith.index_cast %swap3A_435 : i32 to index
    %swap3A_437 = arith.constant 16 : index
    %swap3A_438 = tpu.vector_load %arg5[%swap3A_436, %swap3A_437] {strides = array<i32>} : memref<4x128xi32, #tpu.memory_space<vmem>>, vector<1x16xi32>,
    %swap3A_439 = vector.shape_cast %swap3A_438 : vector<1x16xi32> to vector<16xi32>
    %swap3A_440 = vector.shape_cast %max3A_434 : vector<16xi32> to vector<1x16xi32>
    tpu.vector_store %arg5[%swap3A_436, %swap3A_437], %swap3A_440 {strides = array<i32>} : memref<4x128xi32, #tpu.memory_space<vmem>>, vector<1x16xi32>,
    %get3A_441 = arith.constant 3 : i32
    %get3A_442 = arith.index_cast %get3A_441 : i32 to index
    %get3A_443 = arith.constant 32 : index
    %get3A_444 = tpu.vector_load %arg5[%get3A_442, %get3A_443] {strides = array<i32>} : memref<4x128xi32, #tpu.memory_space<vmem>>, vector<1x16xi32>,
    %get3A_445 = vector.shape_cast %get3A_444 : vector<1x16xi32> to vector<16xi32>
    %sub3A_446 = arith.constant 1 : i32
    %sub3A_447 = vector.broadcast %sub3A_446 : i32 to vector<16xi32>
    %sub3A_448 = arith.subi %get3A_445, %sub3A_447 : vector<16xi32>
    %max3A_449 = arith.constant 0 : i32
    %max3A_450 = vector.broadcast %max3A_449 : i32 to vector<16xi32>
    %max3A_451 = arith.maxsi %sub3A_448, %max3A_450 : vector<16xi32>
    %swap3A_452 = arith.constant 3 : i32
    %swap3A_453 = arith.index_cast %swap3A_452 : i32 to index
    %swap3A_454 = arith.constant 32 : index
    %swap3A_455 = tpu.vector_load %arg5[%swap3A_453, %swap3A_454] {strides = array<i32>} : memref<4x128xi32, #tpu.memory_space<vmem>>, vector<1x16xi32>,
    %swap3A_456 = vector.shape_cast %swap3A_455 : vector<1x16xi32> to vector<16xi32>
    %swap3A_457 = vector.shape_cast %max3A_451 : vector<16xi32> to vector<1x16xi32>
    tpu.vector_store %arg5[%swap3A_453, %swap3A_454], %swap3A_457 {strides = array<i32>} : memref<4x128xi32, #tpu.memory_space<vmem>>, vector<1x16xi32>,
    %get3A_458 = arith.constant 3 : i32
    %get3A_459 = arith.index_cast %get3A_458 : i32 to index
    %get3A_460 = arith.constant 48 : index
    %get3A_461 = tpu.vector_load %arg5[%get3A_459, %get3A_460] {strides = array<i32>} : memref<4x128xi32, #tpu.memory_space<vmem>>, vector<1x16xi32>,
    %get3A_462 = vector.shape_cast %get3A_461 : vector<1x16xi32> to vector<16xi32>
    %sub3A_463 = arith.constant 1 : i32
    %sub3A_464 = vector.broadcast %sub3A_463 : i32 to vector<16xi32>
    %sub3A_465 = arith.subi %get3A_462, %sub3A_464 : vector<16xi32>
    %max3A_466 = arith.constant 0 : i32
    %max3A_467 = vector.broadcast %max3A_466 : i32 to vector<16xi32>
    %max3A_468 = arith.maxsi %sub3A_465, %max3A_467 : vector<16xi32>
    %swap3A_469 = arith.constant 3 : i32
    %swap3A_470 = arith.index_cast %swap3A_469 : i32 to index
    %swap3A_471 = arith.constant 48 : index
    %swap3A_472 = tpu.vector_load %arg5[%swap3A_470, %swap3A_471] {strides = array<i32>} : memref<4x128xi32, #tpu.memory_space<vmem>>, vector<1x16xi32>,
    %swap3A_473 = vector.shape_cast %swap3A_472 : vector<1x16xi32> to vector<16xi32>
    %swap3A_474 = vector.shape_cast %max3A_468 : vector<16xi32> to vector<1x16xi32>
    tpu.vector_store %arg5[%swap3A_470, %swap3A_471], %swap3A_474 {strides = array<i32>} : memref<4x128xi32, #tpu.memory_space<vmem>>, vector<1x16xi32>,
    %get3A_475 = arith.constant 3 : i32
    %get3A_476 = arith.index_cast %get3A_475 : i32 to index
    %get3A_477 = arith.constant 64 : index
    %get3A_478 = tpu.vector_load %arg5[%get3A_476, %get3A_477] {strides = array<i32>} : memref<4x128xi32, #tpu.memory_space<vmem>>, vector<1x16xi32>,
    %get3A_479 = vector.shape_cast %get3A_478 : vector<1x16xi32> to vector<16xi32>
    %sub3A_480 = arith.constant 1 : i32
    %sub3A_481 = vector.broadcast %sub3A_480 : i32 to vector<16xi32>
    %sub3A_482 = arith.subi %get3A_479, %sub3A_481 : vector<16xi32>
    %max3A_483 = arith.constant 0 : i32
    %max3A_484 = vector.broadcast %max3A_483 : i32 to vector<16xi32>
    %max3A_485 = arith.maxsi %sub3A_482, %max3A_484 : vector<16xi32>
    %swap3A_486 = arith.constant 3 : i32
    %swap3A_487 = arith.index_cast %swap3A_486 : i32 to index
    %swap3A_488 = arith.constant 64 : index
    %swap3A_489 = tpu.vector_load %arg5[%swap3A_487, %swap3A_488] {strides = array<i32>} : memref<4x128xi32, #tpu.memory_space<vmem>>, vector<1x16xi32>,
    %swap3A_490 = vector.shape_cast %swap3A_489 : vector<1x16xi32> to vector<16xi32>
    %swap3A_491 = vector.shape_cast %max3A_485 : vector<16xi32> to vector<1x16xi32>
    tpu.vector_store %arg5[%swap3A_487, %swap3A_488], %swap3A_491 {strides = array<i32>} : memref<4x128xi32, #tpu.memory_space<vmem>>, vector<1x16xi32>,
    %get3A_492 = arith.constant 3 : i32
    %get3A_493 = arith.index_cast %get3A_492 : i32 to index
    %get3A_494 = arith.constant 80 : index
    %get3A_495 = tpu.vector_load %arg5[%get3A_493, %get3A_494] {strides = array<i32>} : memref<4x128xi32, #tpu.memory_space<vmem>>, vector<1x16xi32>,
    %get3A_496 = vector.shape_cast %get3A_495 : vector<1x16xi32> to vector<16xi32>
    %sub3A_497 = arith.constant 1 : i32
    %sub3A_498 = vector.broadcast %sub3A_497 : i32 to vector<16xi32>
    %sub3A_499 = arith.subi %get3A_496, %sub3A_498 : vector<16xi32>
    %max3A_500 = arith.constant 0 : i32
    %max3A_501 = vector.broadcast %max3A_500 : i32 to vector<16xi32>
    %max3A_502 = arith.maxsi %sub3A_499, %max3A_501 : vector<16xi32>
    %swap3A_503 = arith.constant 3 : i32
    %swap3A_504 = arith.index_cast %swap3A_503 : i32 to index
    %swap3A_505 = arith.constant 80 : index
    %swap3A_506 = tpu.vector_load %arg5[%swap3A_504, %swap3A_505] {strides = array<i32>} : memref<4x128xi32, #tpu.memory_space<vmem>>, vector<1x16xi32>,
    %swap3A_507 = vector.shape_cast %swap3A_506 : vector<1x16xi32> to vector<16xi32>
    %swap3A_508 = vector.shape_cast %max3A_502 : vector<16xi32> to vector<1x16xi32>
    tpu.vector_store %arg5[%swap3A_504, %swap3A_505], %swap3A_508 {strides = array<i32>} : memref<4x128xi32, #tpu.memory_space<vmem>>, vector<1x16xi32>,
    %get3A_509 = arith.constant 3 : i32
    %get3A_510 = arith.index_cast %get3A_509 : i32 to index
    %get3A_511 = arith.constant 96 : index
    %get3A_512 = tpu.vector_load %arg5[%get3A_510, %get3A_511] {strides = array<i32>} : memref<4x128xi32, #tpu.memory_space<vmem>>, vector<1x16xi32>,
    %get3A_513 = vector.shape_cast %get3A_512 : vector<1x16xi32> to vector<16xi32>
    %sub3A_514 = arith.constant 1 : i32
    %sub3A_515 = vector.broadcast %sub3A_514 : i32 to vector<16xi32>
    %sub3A_516 = arith.subi %get3A_513, %sub3A_515 : vector<16xi32>
    %max3A_517 = arith.constant 0 : i32
    %max3A_518 = vector.broadcast %max3A_517 : i32 to vector<16xi32>
    %max3A_519 = arith.maxsi %sub3A_516, %max3A_518 : vector<16xi32>
    %swap3A_520 = arith.constant 3 : i32
    %swap3A_521 = arith.index_cast %swap3A_520 : i32 to index
    %swap3A_522 = arith.constant 96 : index
    %swap3A_523 = tpu.vector_load %arg5[%swap3A_521, %swap3A_522] {strides = array<i32>} : memref<4x128xi32, #tpu.memory_space<vmem>>, vector<1x16xi32>,
    %swap3A_524 = vector.shape_cast %swap3A_523 : vector<1x16xi32> to vector<16xi32>
    %swap3A_525 = vector.shape_cast %max3A_519 : vector<16xi32> to vector<1x16xi32>
    tpu.vector_store %arg5[%swap3A_521, %swap3A_522], %swap3A_525 {strides = array<i32>} : memref<4x128xi32, #tpu.memory_space<vmem>>, vector<1x16xi32>,
    %get3A_526 = arith.constant 3 : i32
    %get3A_527 = arith.index_cast %get3A_526 : i32 to index
    %get3A_528 = arith.constant 112 : index
    %get3A_529 = tpu.vector_load %arg5[%get3A_527, %get3A_528] {strides = array<i32>} : memref<4x128xi32, #tpu.memory_space<vmem>>, vector<1x16xi32>,
    %get3A_530 = vector.shape_cast %get3A_529 : vector<1x16xi32> to vector<16xi32>
    %sub3A_531 = arith.constant 1 : i32
    %sub3A_532 = vector.broadcast %sub3A_531 : i32 to vector<16xi32>
    %sub3A_533 = arith.subi %get3A_530, %sub3A_532 : vector<16xi32>
    %max3A_534 = arith.constant 0 : i32
    %max3A_535 = vector.broadcast %max3A_534 : i32 to vector<16xi32>
    %max3A_536 = arith.maxsi %sub3A_533, %max3A_535 : vector<16xi32>
    %swap3A_537 = arith.constant 3 : i32
    %swap3A_538 = arith.index_cast %swap3A_537 : i32 to index
    %swap3A_539 = arith.constant 112 : index
    %swap3A_540 = tpu.vector_load %arg5[%swap3A_538, %swap3A_539] {strides = array<i32>} : memref<4x128xi32, #tpu.memory_space<vmem>>, vector<1x16xi32>,
    %swap3A_541 = vector.shape_cast %swap3A_540 : vector<1x16xi32> to vector<16xi32>
    %swap3A_542 = vector.shape_cast %max3A_536 : vector<16xi32> to vector<1x16xi32>
    tpu.vector_store %arg5[%swap3A_538, %swap3A_539], %swap3A_542 {strides = array<i32>} : memref<4x128xi32, #tpu.memory_space<vmem>>, vector<1x16xi32>,
    %dma_start3A = arith.constant 0 : i32
    %dma_start3A_543 = arith.constant 0 : i32
    %dma_start3A_544 = arith.constant 0 : i32
    %dma_start3A_545 = tpu.memref_slice %arg6[%dma_start3A_543, %dma_start3A_544] : memref<512x128xf32, #tpu.memory_space<vmem>> -> memref<128x128xf32, #tpu.memory_space<vmem>>
    %dma_start3A_546 = arith.constant 0 : i32
    %dma_start3A_547 = tpu.memref_slice %arg5[%dma_start3A, %dma_start3A_546] : memref<4x128xi32, #tpu.memory_space<vmem>> -> memref<1x128xi32, #tpu.memory_space<vmem>>
    %dma_start3A_548 = tpu.memref_squeeze %dma_start3A_547 : memref<1x128xi32, #tpu.memory_space<vmem>> -> memref<128xi32, #tpu.memory_space<vmem>>
    %dma_start3A_549 = arith.constant 0 : i32
    %dma_start3A_550 = arith.constant 0 : i32
    %dma_start3A_551 = tpu.memref_slice %arg3[%dma_start3A_549, %dma_start3A_550] : memref<300000x128xf32, #tpu.memory_space<hbm>> -> memref<300000x128xf32, #tpu.memory_space<hbm>>
    tpu.enqueue_indirect_dma source(%dma_start3A_551 : memref<300000x128xf32, #tpu.memory_space<hbm>>) target(%dma_start3A_545 : memref<128x128xf32, #tpu.memory_space<vmem>>) offsets(%dma_start3A_548 : memref<128xi32, #tpu.memory_space<vmem>>) semaphore(%arg7 : memref<!tpu.dma_semaphore, #tpu.memory_space<semaphore_mem>>)
    %dma_start3A_552 = arith.constant 1 : i32
    %dma_start3A_553 = arith.constant 128 : i32
    %dma_start3A_554 = arith.constant 0 : i32
    %dma_start3A_555 = tpu.memref_slice %arg6[%dma_start3A_553, %dma_start3A_554] : memref<512x128xf32, #tpu.memory_space<vmem>> -> memref<128x128xf32, #tpu.memory_space<vmem>>
    %dma_start3A_556 = arith.constant 0 : i32
    %dma_start3A_557 = tpu.memref_slice %arg5[%dma_start3A_552, %dma_start3A_556] : memref<4x128xi32, #tpu.memory_space<vmem>> -> memref<1x128xi32, #tpu.memory_space<vmem>>
    %dma_start3A_558 = tpu.memref_squeeze %dma_start3A_557 : memref<1x128xi32, #tpu.memory_space<vmem>> -> memref<128xi32, #tpu.memory_space<vmem>>
    %dma_start3A_559 = arith.constant 0 : i32
    %dma_start3A_560 = arith.constant 0 : i32
    %dma_start3A_561 = tpu.memref_slice %arg3[%dma_start3A_559, %dma_start3A_560] : memref<300000x128xf32, #tpu.memory_space<hbm>> -> memref<300000x128xf32, #tpu.memory_space<hbm>>
    tpu.enqueue_indirect_dma source(%dma_start3A_561 : memref<300000x128xf32, #tpu.memory_space<hbm>>) target(%dma_start3A_555 : memref<128x128xf32, #tpu.memory_space<vmem>>) offsets(%dma_start3A_558 : memref<128xi32, #tpu.memory_space<vmem>>) semaphore(%arg7 : memref<!tpu.dma_semaphore, #tpu.memory_space<semaphore_mem>>)
    %dma_start3A_562 = arith.constant 2 : i32
    %dma_start3A_563 = arith.constant 256 : i32
    %dma_start3A_564 = arith.constant 0 : i32
    %dma_start3A_565 = tpu.memref_slice %arg6[%dma_start3A_563, %dma_start3A_564] : memref<512x128xf32, #tpu.memory_space<vmem>> -> memref<128x128xf32, #tpu.memory_space<vmem>>
    %dma_start3A_566 = arith.constant 0 : i32
    %dma_start3A_567 = tpu.memref_slice %arg5[%dma_start3A_562, %dma_start3A_566] : memref<4x128xi32, #tpu.memory_space<vmem>> -> memref<1x128xi32, #tpu.memory_space<vmem>>
    %dma_start3A_568 = tpu.memref_squeeze %dma_start3A_567 : memref<1x128xi32, #tpu.memory_space<vmem>> -> memref<128xi32, #tpu.memory_space<vmem>>
    %dma_start3A_569 = arith.constant 0 : i32
    %dma_start3A_570 = arith.constant 0 : i32
    %dma_start3A_571 = tpu.memref_slice %arg3[%dma_start3A_569, %dma_start3A_570] : memref<300000x128xf32, #tpu.memory_space<hbm>> -> memref<300000x128xf32, #tpu.memory_space<hbm>>
    tpu.enqueue_indirect_dma source(%dma_start3A_571 : memref<300000x128xf32, #tpu.memory_space<hbm>>) target(%dma_start3A_565 : memref<128x128xf32, #tpu.memory_space<vmem>>) offsets(%dma_start3A_568 : memref<128xi32, #tpu.memory_space<vmem>>) semaphore(%arg7 : memref<!tpu.dma_semaphore, #tpu.memory_space<semaphore_mem>>)
    %dma_start3A_572 = arith.constant 3 : i32
    %dma_start3A_573 = arith.constant 384 : i32
    %dma_start3A_574 = arith.constant 0 : i32
    %dma_start3A_575 = tpu.memref_slice %arg6[%dma_start3A_573, %dma_start3A_574] : memref<512x128xf32, #tpu.memory_space<vmem>> -> memref<128x128xf32, #tpu.memory_space<vmem>>
    %dma_start3A_576 = arith.constant 0 : i32
    %dma_start3A_577 = tpu.memref_slice %arg5[%dma_start3A_572, %dma_start3A_576] : memref<4x128xi32, #tpu.memory_space<vmem>> -> memref<1x128xi32, #tpu.memory_space<vmem>>
    %dma_start3A_578 = tpu.memref_squeeze %dma_start3A_577 : memref<1x128xi32, #tpu.memory_space<vmem>> -> memref<128xi32, #tpu.memory_space<vmem>>
    %dma_start3A_579 = arith.constant 0 : i32
    %dma_start3A_580 = arith.constant 0 : i32
    %dma_start3A_581 = tpu.memref_slice %arg3[%dma_start3A_579, %dma_start3A_580] : memref<300000x128xf32, #tpu.memory_space<hbm>> -> memref<300000x128xf32, #tpu.memory_space<hbm>>
    tpu.enqueue_indirect_dma source(%dma_start3A_581 : memref<300000x128xf32, #tpu.memory_space<hbm>>) target(%dma_start3A_575 : memref<128x128xf32, #tpu.memory_space<vmem>>) offsets(%dma_start3A_578 : memref<128xi32, #tpu.memory_space<vmem>>) semaphore(%arg7 : memref<!tpu.dma_semaphore, #tpu.memory_space<semaphore_mem>>)
    %dma_wait3A = arith.constant 0 : i32
    %dma_wait3A_582 = arith.constant 0 : i32
    %dma_wait3A_583 = arith.constant 0 : i32
    %dma_wait3A_584 = tpu.memref_slice %arg6[%dma_wait3A_582, %dma_wait3A_583] : memref<512x128xf32, #tpu.memory_space<vmem>> -> memref<128x128xf32, #tpu.memory_space<vmem>>
    %dma_wait3A_585 = arith.constant 0 : i32
    %dma_wait3A_586 = tpu.memref_slice %arg5[%dma_wait3A, %dma_wait3A_585] : memref<4x128xi32, #tpu.memory_space<vmem>> -> memref<1x128xi32, #tpu.memory_space<vmem>>
    %dma_wait3A_587 = tpu.memref_squeeze %dma_wait3A_586 : memref<1x128xi32, #tpu.memory_space<vmem>> -> memref<128xi32, #tpu.memory_space<vmem>>
    %dma_wait3A_588 = arith.constant 0 : i32
    %dma_wait3A_589 = arith.constant 0 : i32
    %dma_wait3A_590 = tpu.memref_slice %arg3[%dma_wait3A_588, %dma_wait3A_589] : memref<300000x128xf32, #tpu.memory_space<hbm>> -> memref<300000x128xf32, #tpu.memory_space<hbm>>
    tpu.wait_indirect_dma semaphore(%arg7 : memref<!tpu.dma_semaphore, #tpu.memory_space<semaphore_mem>>) src(%dma_wait3A_590 : memref<300000x128xf32, #tpu.memory_space<hbm>>) dst(%dma_wait3A_584 : memref<128x128xf32, #tpu.memory_space<vmem>>)
    %dma_wait3A_591 = arith.constant 1 : i32
    %dma_wait3A_592 = arith.constant 128 : i32
    %dma_wait3A_593 = arith.constant 0 : i32
    %dma_wait3A_594 = tpu.memref_slice %arg6[%dma_wait3A_592, %dma_wait3A_593] : memref<512x128xf32, #tpu.memory_space<vmem>> -> memref<128x128xf32, #tpu.memory_space<vmem>>
    %dma_wait3A_595 = arith.constant 0 : i32
    %dma_wait3A_596 = tpu.memref_slice %arg5[%dma_wait3A_591, %dma_wait3A_595] : memref<4x128xi32, #tpu.memory_space<vmem>> -> memref<1x128xi32, #tpu.memory_space<vmem>>
    %dma_wait3A_597 = tpu.memref_squeeze %dma_wait3A_596 : memref<1x128xi32, #tpu.memory_space<vmem>> -> memref<128xi32, #tpu.memory_space<vmem>>
    %dma_wait3A_598 = arith.constant 0 : i32
    %dma_wait3A_599 = arith.constant 0 : i32
    %dma_wait3A_600 = tpu.memref_slice %arg3[%dma_wait3A_598, %dma_wait3A_599] : memref<300000x128xf32, #tpu.memory_space<hbm>> -> memref<300000x128xf32, #tpu.memory_space<hbm>>
    tpu.wait_indirect_dma semaphore(%arg7 : memref<!tpu.dma_semaphore, #tpu.memory_space<semaphore_mem>>) src(%dma_wait3A_600 : memref<300000x128xf32, #tpu.memory_space<hbm>>) dst(%dma_wait3A_594 : memref<128x128xf32, #tpu.memory_space<vmem>>)
    %dma_wait3A_601 = arith.constant 2 : i32
    %dma_wait3A_602 = arith.constant 256 : i32
    %dma_wait3A_603 = arith.constant 0 : i32
    %dma_wait3A_604 = tpu.memref_slice %arg6[%dma_wait3A_602, %dma_wait3A_603] : memref<512x128xf32, #tpu.memory_space<vmem>> -> memref<128x128xf32, #tpu.memory_space<vmem>>
    %dma_wait3A_605 = arith.constant 0 : i32
    %dma_wait3A_606 = tpu.memref_slice %arg5[%dma_wait3A_601, %dma_wait3A_605] : memref<4x128xi32, #tpu.memory_space<vmem>> -> memref<1x128xi32, #tpu.memory_space<vmem>>
    %dma_wait3A_607 = tpu.memref_squeeze %dma_wait3A_606 : memref<1x128xi32, #tpu.memory_space<vmem>> -> memref<128xi32, #tpu.memory_space<vmem>>
    %dma_wait3A_608 = arith.constant 0 : i32
    %dma_wait3A_609 = arith.constant 0 : i32
    %dma_wait3A_610 = tpu.memref_slice %arg3[%dma_wait3A_608, %dma_wait3A_609] : memref<300000x128xf32, #tpu.memory_space<hbm>> -> memref<300000x128xf32, #tpu.memory_space<hbm>>
    tpu.wait_indirect_dma semaphore(%arg7 : memref<!tpu.dma_semaphore, #tpu.memory_space<semaphore_mem>>) src(%dma_wait3A_610 : memref<300000x128xf32, #tpu.memory_space<hbm>>) dst(%dma_wait3A_604 : memref<128x128xf32, #tpu.memory_space<vmem>>)
    %dma_wait3A_611 = arith.constant 3 : i32
    %dma_wait3A_612 = arith.constant 384 : i32
    %dma_wait3A_613 = arith.constant 0 : i32
    %dma_wait3A_614 = tpu.memref_slice %arg6[%dma_wait3A_612, %dma_wait3A_613] : memref<512x128xf32, #tpu.memory_space<vmem>> -> memref<128x128xf32, #tpu.memory_space<vmem>>
    %dma_wait3A_615 = arith.constant 0 : i32
    %dma_wait3A_616 = tpu.memref_slice %arg5[%dma_wait3A_611, %dma_wait3A_615] : memref<4x128xi32, #tpu.memory_space<vmem>> -> memref<1x128xi32, #tpu.memory_space<vmem>>
    %dma_wait3A_617 = tpu.memref_squeeze %dma_wait3A_616 : memref<1x128xi32, #tpu.memory_space<vmem>> -> memref<128xi32, #tpu.memory_space<vmem>>
    %dma_wait3A_618 = arith.constant 0 : i32
    %dma_wait3A_619 = arith.constant 0 : i32
    %dma_wait3A_620 = tpu.memref_slice %arg3[%dma_wait3A_618, %dma_wait3A_619] : memref<300000x128xf32, #tpu.memory_space<hbm>> -> memref<300000x128xf32, #tpu.memory_space<hbm>>
    tpu.wait_indirect_dma semaphore(%arg7 : memref<!tpu.dma_semaphore, #tpu.memory_space<semaphore_mem>>) src(%dma_wait3A_620 : memref<300000x128xf32, #tpu.memory_space<hbm>>) dst(%dma_wait3A_614 : memref<128x128xf32, #tpu.memory_space<vmem>>)
    "tpu.region"() ({
      %run_scoped3A = tpu.sem_alloc : memref<!tpu.dma_semaphore, #tpu.memory_space<semaphore_mem>>
      %dma_start3A_621 = arith.constant 0 : i32
      %dma_start3A_622 = tpu.memref_slice %arg4[%mul3A_2, %dma_start3A_621] : memref<16384x128xf32, #tpu.memory_space<hbm>> -> memref<512x128xf32, #tpu.memory_space<hbm>>
      %dma_start3A_623 = arith.constant 0 : i32
      %dma_start3A_624 = tpu.memref_slice %arg4[%mul3A_2, %dma_start3A_623] : memref<16384x128xf32, #tpu.memory_space<hbm>> -> memref<512x128xf32, #tpu.memory_space<hbm>>
      tpu.enqueue_dma source(%arg6 : memref<512x128xf32, #tpu.memory_space<vmem>>) target(%dma_start3A_624 : memref<512x128xf32, #tpu.memory_space<hbm>>) target_semaphore(%run_scoped3A : memref<!tpu.dma_semaphore, #tpu.memory_space<semaphore_mem>>)
      %dma_wait3A_625 = arith.constant 0 : i32
      %dma_wait3A_626 = tpu.memref_slice %arg4[%mul3A_2, %dma_wait3A_625] : memref<16384x128xf32, #tpu.memory_space<hbm>> -> memref<512x128xf32, #tpu.memory_space<hbm>>
      %dma_wait3A_627 = arith.constant 0 : i32
      %dma_wait3A_628 = tpu.memref_slice %arg4[%mul3A_2, %dma_wait3A_627] : memref<16384x128xf32, #tpu.memory_space<hbm>> -> memref<512x128xf32, #tpu.memory_space<hbm>>
      tpu.wait_dma2 semaphore(%run_scoped3A : memref<!tpu.dma_semaphore, #tpu.memory_space<semaphore_mem>>) src(%arg6 : memref<512x128xf32, #tpu.memory_space<vmem>>) dst(%dma_wait3A_628 : memref<512x128xf32, #tpu.memory_space<hbm>>)
      tpu.yield
    }) : () -> ()
    return
  }
}

module attributes {stable_mosaic.version = 14 : i64} {
  func.func @_tc_body(%arg0: i32, %arg1: memref<4096x128xf32, #tpu.memory_space<vmem>>, %arg2: memref<1x4096xf32, #tpu.memory_space<vmem>>, %arg3: memref<3x64x128xf32, #tpu.memory_space<vmem>>, %arg4: memref<320x8xf32, #tpu.memory_space<vmem>>, %arg5: memref<64x4096xf32, #tpu.memory_space<vmem>>, %arg6: memref<8x128xf32, #tpu.memory_space<vmem>>) attributes {dimension_semantics = [#tpu.dimension_semantics<arbitrary>], iteration_bounds = array<i64: 4>, scalar_prefetch = 0 : i64, scratch_operands = 0 : i64, tpu.core_type = #tpu.core_type<tc>, window_params = [{transform_indices = @transform_0, window_bounds = array<i64: 4096, 128>}, {transform_indices = @transform_1, window_bounds = array<i64: 1, 4096>}, {pipeline_mode = #tpu.pipeline_mode<synchronous>, transform_indices = @transform_2, window_bounds = array<i64: 3, 64, 128>}, {pipeline_mode = #tpu.pipeline_mode<synchronous>, transform_indices = @transform_3, window_bounds = array<i64: 320, 8>}, {transform_indices = @transform_4, window_bounds = array<i64: 64, 4096>}, {pipeline_mode = #tpu.pipeline_mode<synchronous>, transform_indices = @transform_5, window_bounds = array<i64: 8, 128>}]} {
    %get3A = arith.constant 0 : index
    %get3A_0 = arith.constant 0 : index
    %get3A_1 = vector.load %arg1[%get3A, %get3A_0] : memref<4096x128xf32, #tpu.memory_space<vmem>>, vector<4096x128xf32>
    %get3A_2 = arith.constant 0 : index
    %get3A_3 = arith.constant 0 : index
    %get3A_4 = vector.load %arg2[%get3A_2, %get3A_3] : memref<1x4096xf32, #tpu.memory_space<vmem>>, vector<1x4096xf32>
    %eq3A = arith.constant 0.000000e+00 : f32
    %eq3A_5 = vector.broadcast %eq3A : f32 to vector<1x4096xf32>
    %eq3A_6 = arith.cmpf oeq, %get3A_4, %eq3A_5 : vector<1x4096xf32>
    %eq3A_7 = arith.constant 1.000000e+00 : f32
    %eq3A_8 = vector.broadcast %eq3A_7 : f32 to vector<1x4096xf32>
    %eq3A_9 = arith.cmpf oeq, %get3A_4, %eq3A_8 : vector<1x4096xf32>
    %eq3A_10 = arith.constant 2.000000e+00 : f32
    %eq3A_11 = vector.broadcast %eq3A_10 : f32 to vector<1x4096xf32>
    %eq3A_12 = arith.cmpf oeq, %get3A_4, %eq3A_11 : vector<1x4096xf32>
    %ge3A = arith.constant 0.000000e+00 : f32
    %ge3A_13 = vector.broadcast %ge3A : f32 to vector<1x4096xf32>
    %ge3A_14 = arith.cmpf oge, %get3A_4, %ge3A_13 : vector<1x4096xf32>
    %convert_element_type3A = arith.extui %eq3A_6 : vector<1x4096xi1> to vector<1x4096xi32>
    %convert_element_type3A_15 = arith.sitofp %convert_element_type3A : vector<1x4096xi32> to vector<1x4096xf32>
    %convert_element_type3A_16 = arith.extui %eq3A_9 : vector<1x4096xi1> to vector<1x4096xi32>
    %convert_element_type3A_17 = arith.sitofp %convert_element_type3A_16 : vector<1x4096xi32> to vector<1x4096xf32>
    %convert_element_type3A_18 = arith.extui %eq3A_12 : vector<1x4096xi1> to vector<1x4096xi32>
    %convert_element_type3A_19 = arith.sitofp %convert_element_type3A_18 : vector<1x4096xi32> to vector<1x4096xf32>
    %broadcast_in_dim3A = arith.constant 0.000000e+00 : f32
    %broadcast_in_dim3A_20 = vector.broadcast %broadcast_in_dim3A : f32 to vector<5x4096xf32>
    %concatenate3A = tpu.concatenate %convert_element_type3A_15, %convert_element_type3A_17, %convert_element_type3A_19, %broadcast_in_dim3A_20 in 0 : vector<1x4096xf32>, vector<1x4096xf32>, vector<1x4096xf32>, vector<5x4096xf32> -> vector<8x4096xf32>
    %get3A_21 = arith.constant 0 : index
    %get3A_22 = arith.constant 0 : index
    %get3A_23 = vector.load %arg4[%get3A_21, %get3A_22] : memref<320x8xf32, #tpu.memory_space<vmem>>, vector<320x8xf32>
    %dot_general3A = arith.constant dense<0.000000e+00> : vector<320x4096xf32>
    %dot_general3A_24 = tpu.matmul %get3A_23, %concatenate3A, %dot_general3A {dimension_numbers = #tpu.dot_dimension_numbers<[1], [0], [0], [1], [0, 0, 1, 1], [], []>, transpose_lhs_hint = false} : vector<320x8xf32>, vector<8x4096xf32>, vector<320x4096xf32> -> vector<320x4096xf32>
    %slice3A = vector.extract_strided_slice %dot_general3A_24 {offsets = [0, 0], sizes = [64, 4096], strides = [1, 1]} : vector<320x4096xf32> to vector<64x4096xf32>
    %slice3A_25 = vector.extract_strided_slice %dot_general3A_24 {offsets = [64, 0], sizes = [64, 4096], strides = [1, 1]} : vector<320x4096xf32> to vector<64x4096xf32>
    %slice3A_26 = vector.extract_strided_slice %dot_general3A_24 {offsets = [128, 0], sizes = [64, 4096], strides = [1, 1]} : vector<320x4096xf32> to vector<64x4096xf32>
    %slice3A_27 = vector.extract_strided_slice %dot_general3A_24 {offsets = [192, 0], sizes = [128, 4096], strides = [1, 1]} : vector<320x4096xf32> to vector<128x4096xf32>
    %get3A_28 = arith.constant 0 : index
    %get3A_29 = arith.constant 0 : index
    %get3A_30 = arith.constant 0 : index
    %get3A_31 = vector.load %arg3[%get3A_28, %get3A_29, %get3A_30] : memref<3x64x128xf32, #tpu.memory_space<vmem>>, vector<3x64x128xf32>
    %reshape3A = vector.shape_cast %get3A_31 : vector<3x64x128xf32> to vector<192x128xf32>
    %dot_general3A_32 = arith.constant dense<0.000000e+00> : vector<192x4096xf32>
    %dot_general3A_33 = tpu.matmul %reshape3A, %get3A_1, %dot_general3A_32 {dimension_numbers = #tpu.dot_dimension_numbers<[1], [1], [0], [0], [0, 0, 1, 0], [], []>, transpose_lhs_hint = false} : vector<192x128xf32>, vector<4096x128xf32>, vector<192x4096xf32> -> vector<192x4096xf32>
    %slice3A_34 = vector.extract_strided_slice %dot_general3A_33 {offsets = [0, 0], sizes = [64, 4096], strides = [1, 1]} : vector<192x4096xf32> to vector<64x4096xf32>
    %slice3A_35 = vector.extract_strided_slice %dot_general3A_33 {offsets = [64, 0], sizes = [64, 4096], strides = [1, 1]} : vector<192x4096xf32> to vector<64x4096xf32>
    %slice3A_36 = vector.extract_strided_slice %dot_general3A_33 {offsets = [128, 0], sizes = [64, 4096], strides = [1, 1]} : vector<192x4096xf32> to vector<64x4096xf32>
    %broadcast_in_dim3A_37 = vector.shape_cast %eq3A_9 : vector<1x4096xi1> to vector<1x4096xi1>
    %broadcast_in_dim3A_38 = vector.broadcast %broadcast_in_dim3A_37 : vector<1x4096xi1> to vector<64x4096xi1>
    %select_n3A = arith.select %broadcast_in_dim3A_38, %slice3A_35, %slice3A_36 : vector<64x4096xi1>, vector<64x4096xf32>
    %broadcast_in_dim3A_39 = vector.shape_cast %eq3A_6 : vector<1x4096xi1> to vector<1x4096xi1>
    %broadcast_in_dim3A_40 = vector.broadcast %broadcast_in_dim3A_39 : vector<1x4096xi1> to vector<64x4096xi1>
    %select_n3A_41 = arith.select %broadcast_in_dim3A_40, %slice3A_34, %select_n3A : vector<64x4096xi1>, vector<64x4096xf32>
    %add3A = arith.addf %select_n3A_41, %slice3A : vector<64x4096xf32>
    %tanh3A = math.tanh %add3A : vector<64x4096xf32>
    %broadcast_in_dim3A_42 = arith.constant 0.000000e+00 : f32
    %broadcast_in_dim3A_43 = vector.broadcast %broadcast_in_dim3A_42 : f32 to vector<64x4096xf32>
    %broadcast_in_dim3A_44 = vector.shape_cast %eq3A_6 : vector<1x4096xi1> to vector<1x4096xi1>
    %broadcast_in_dim3A_45 = vector.broadcast %broadcast_in_dim3A_44 : vector<1x4096xi1> to vector<64x4096xi1>
    %select_n3A_46 = arith.select %broadcast_in_dim3A_45, %tanh3A, %broadcast_in_dim3A_43 : vector<64x4096xi1>, vector<64x4096xf32>
    %broadcast_in_dim3A_47 = vector.shape_cast %eq3A_9 : vector<1x4096xi1> to vector<1x4096xi1>
    %broadcast_in_dim3A_48 = vector.broadcast %broadcast_in_dim3A_47 : vector<1x4096xi1> to vector<64x4096xi1>
    %select_n3A_49 = arith.select %broadcast_in_dim3A_48, %tanh3A, %broadcast_in_dim3A_43 : vector<64x4096xi1>, vector<64x4096xf32>
    %broadcast_in_dim3A_50 = vector.shape_cast %eq3A_12 : vector<1x4096xi1> to vector<1x4096xi1>
    %broadcast_in_dim3A_51 = vector.broadcast %broadcast_in_dim3A_50 : vector<1x4096xi1> to vector<64x4096xi1>
    %select_n3A_52 = arith.select %broadcast_in_dim3A_51, %tanh3A, %broadcast_in_dim3A_43 : vector<64x4096xi1>, vector<64x4096xf32>
    %concatenate3A_53 = tpu.concatenate %select_n3A_46, %select_n3A_49, %select_n3A_52 in 0 : vector<64x4096xf32>, vector<64x4096xf32>, vector<64x4096xf32> -> vector<192x4096xf32>
    %dot_general3A_54 = arith.constant dense<0.000000e+00> : vector<128x4096xf32>
    %dot_general3A_55 = tpu.matmul %reshape3A, %concatenate3A_53, %dot_general3A_54 {dimension_numbers = #tpu.dot_dimension_numbers<[0], [0], [1], [1], [0, 1, 1, 1], [], []>, transpose_lhs_hint = false} : vector<192x128xf32>, vector<192x4096xf32>, vector<128x4096xf32> -> vector<128x4096xf32>
    %transpose3A = tpu.transpose %get3A_1, [1, 0] : vector<4096x128xf32> -> vector<128x4096xf32>
    %sub3A = arith.subf %transpose3A, %slice3A_27 : vector<128x4096xf32>
    %ne3A = arith.constant 0.000000e+00 : f32
    %ne3A_56 = vector.broadcast %ne3A : f32 to vector<128x4096xf32>
    %ne3A_57 = arith.cmpf one, %transpose3A, %ne3A_56 : vector<128x4096xf32>
    %convert_element_type3A_58 = arith.extui %ne3A_57 : vector<128x4096xi1> to vector<128x4096xi32>
    %convert_element_type3A_59 = arith.sitofp %convert_element_type3A_58 : vector<128x4096xi32> to vector<128x4096xf32>
    %reduce_sum3A = arith.constant dense<0.000000e+00> : vector<4096xf32>
    %reduce_sum3A_60 = vector.multi_reduction <add>, %convert_element_type3A_59, %reduce_sum3A [0] : vector<128x4096xf32> to vector<4096xf32>
    %broadcast_in_dim3A_61 = vector.shape_cast %reduce_sum3A_60 : vector<4096xf32> to vector<1x4096xf32>
    %max3A = arith.constant 1.000000e+00 : f32
    %max3A_62 = vector.broadcast %max3A : f32 to vector<1x4096xf32>
    %max3A_63 = arith.maximumf %broadcast_in_dim3A_61, %max3A_62 : vector<1x4096xf32>
    %sub3A_64 = arith.subf %sub3A, %dot_general3A_55 : vector<128x4096xf32>
    %integer_pow3A = arith.mulf %sub3A_64, %sub3A_64 : vector<128x4096xf32>
    %mul3A = arith.mulf %convert_element_type3A_59, %integer_pow3A : vector<128x4096xf32>
    %reduce_sum3A_65 = arith.constant dense<0.000000e+00> : vector<4096xf32>
    %reduce_sum3A_66 = vector.multi_reduction <add>, %mul3A, %reduce_sum3A_65 [0] : vector<128x4096xf32> to vector<4096xf32>
    %broadcast_in_dim3A_67 = vector.shape_cast %reduce_sum3A_66 : vector<4096xf32> to vector<1x4096xf32>
    %div3A = arith.divf %broadcast_in_dim3A_67, %max3A_63 : vector<1x4096xf32>
    %jit3A = arith.constant 0.000000e+00 : f32
    %broadcast_in_dim3A_68 = vector.broadcast %jit3A : f32 to vector<1x4096xf32>
    %select_n3A_69 = arith.select %ge3A_14, %div3A, %broadcast_in_dim3A_68 : vector<1x4096xi1>, vector<1x4096xf32>
    %reduce_sum3A_70 = arith.constant dense<0.000000e+00> : vector<4096xf32>
    %reduce_sum3A_71 = vector.multi_reduction <add>, %tanh3A, %reduce_sum3A_70 [0] : vector<64x4096xf32> to vector<4096xf32>
    %broadcast_in_dim3A_72 = vector.shape_cast %reduce_sum3A_71 : vector<4096xf32> to vector<1x4096xf32>
    %div3A_73 = arith.constant 6.400000e+01 : f32
    %div3A_74 = vector.broadcast %div3A_73 : f32 to vector<1x4096xf32>
    %div3A_75 = arith.divf %broadcast_in_dim3A_72, %div3A_74 : vector<1x4096xf32>
    %mul3A_76 = arith.mulf %tanh3A, %tanh3A : vector<64x4096xf32>
    %reduce_sum3A_77 = arith.constant dense<0.000000e+00> : vector<4096xf32>
    %reduce_sum3A_78 = vector.multi_reduction <add>, %mul3A_76, %reduce_sum3A_77 [0] : vector<64x4096xf32> to vector<4096xf32>
    %broadcast_in_dim3A_79 = vector.shape_cast %reduce_sum3A_78 : vector<4096xf32> to vector<1x4096xf32>
    %div3A_80 = arith.constant 6.400000e+01 : f32
    %div3A_81 = vector.broadcast %div3A_80 : f32 to vector<1x4096xf32>
    %div3A_82 = arith.divf %broadcast_in_dim3A_79, %div3A_81 : vector<1x4096xf32>
    %mul3A_83 = arith.mulf %div3A_75, %div3A_75 : vector<1x4096xf32>
    %sub3A_84 = arith.subf %div3A_82, %mul3A_83 : vector<1x4096xf32>
    %max3A_85 = arith.constant 0.000000e+00 : f32
    %max3A_86 = vector.broadcast %max3A_85 : f32 to vector<1x4096xf32>
    %max3A_87 = arith.maximumf %sub3A_84, %max3A_86 : vector<1x4096xf32>
    %sub3A_88 = vector.broadcast %div3A_75 : vector<1x4096xf32> to vector<64x4096xf32>
    %sub3A_89 = arith.subf %tanh3A, %sub3A_88 : vector<64x4096xf32>
    %add3A_90 = arith.constant 9.99999974E-6 : f32
    %add3A_91 = vector.broadcast %add3A_90 : f32 to vector<1x4096xf32>
    %add3A_92 = arith.addf %max3A_87, %add3A_91 : vector<1x4096xf32>
    %rsqrt3A = math.rsqrt %add3A_92 : vector<1x4096xf32>
    %mul3A_93 = vector.broadcast %rsqrt3A : vector<1x4096xf32> to vector<64x4096xf32>
    %mul3A_94 = arith.mulf %sub3A_89, %mul3A_93 : vector<64x4096xf32>
    %mul3A_95 = arith.mulf %mul3A_94, %slice3A_25 : vector<64x4096xf32>
    %add3A_96 = arith.addf %mul3A_95, %slice3A_26 : vector<64x4096xf32>
    %jit3A_97 = arith.constant 0.000000e+00 : f32
    %broadcast_in_dim3A_98 = vector.shape_cast %ge3A_14 : vector<1x4096xi1> to vector<1x4096xi1>
    %broadcast_in_dim3A_99 = vector.broadcast %broadcast_in_dim3A_98 : vector<1x4096xi1> to vector<64x4096xi1>
    %broadcast_in_dim3A_100 = vector.broadcast %jit3A_97 : f32 to vector<64x4096xf32>
    %select_n3A_101 = arith.select %broadcast_in_dim3A_99, %add3A_96, %broadcast_in_dim3A_100 : vector<64x4096xi1>, vector<64x4096xf32>
    %swap3A = arith.constant 0 : index
    %swap3A_102 = arith.constant 0 : index
    %swap3A_103 = vector.load %arg5[%swap3A, %swap3A_102] : memref<64x4096xf32, #tpu.memory_space<vmem>>, vector<64x4096xf32>
    tpu.vector_store %arg5[%swap3A, %swap3A_102], %select_n3A_101 {strides = array<i32>} : memref<64x4096xf32, #tpu.memory_space<vmem>>, vector<64x4096xf32>,
    %iota3A = tpu.iota {dimensions = array<i32: 1>} : vector<1x128xi32>
    %convert_element_type3A_104 = arith.extui %eq3A_6 : vector<1x4096xi1> to vector<1x4096xi32>
    %convert_element_type3A_105 = arith.sitofp %convert_element_type3A_104 : vector<1x4096xi32> to vector<1x4096xf32>
    %mul3A_106 = arith.mulf %convert_element_type3A_105, %select_n3A_69 : vector<1x4096xf32>
    %reduce_sum3A_107 = arith.constant dense<0.000000e+00> : vector<1xf32>
    %reduce_sum3A_108 = vector.multi_reduction <add>, %mul3A_106, %reduce_sum3A_107 [1] : vector<1x4096xf32> to vector<1xf32>
    %broadcast_in_dim3A_109 = vector.shape_cast %reduce_sum3A_108 : vector<1xf32> to vector<1x1xf32>
    %eq3A_110 = arith.constant 0 : i32
    %eq3A_111 = vector.broadcast %eq3A_110 : i32 to vector<1x128xi32>
    %eq3A_112 = arith.cmpi eq, %iota3A, %eq3A_111 : vector<1x128xi32>
    %convert_element_type3A_113 = arith.extui %eq3A_112 : vector<1x128xi1> to vector<1x128xi32>
    %convert_element_type3A_114 = arith.sitofp %convert_element_type3A_113 : vector<1x128xi32> to vector<1x128xf32>
    %mul3A_115 = vector.broadcast %broadcast_in_dim3A_109 : vector<1x1xf32> to vector<1x128xf32>
    %mul3A_116 = arith.mulf %mul3A_115, %convert_element_type3A_114 : vector<1x128xf32>
    %add3A_117 = arith.constant 0.000000e+00 : f32
    %add3A_118 = vector.broadcast %add3A_117 : f32 to vector<1x128xf32>
    %add3A_119 = arith.addf %add3A_118, %mul3A_116 : vector<1x128xf32>
    %convert_element_type3A_120 = arith.extui %eq3A_9 : vector<1x4096xi1> to vector<1x4096xi32>
    %convert_element_type3A_121 = arith.sitofp %convert_element_type3A_120 : vector<1x4096xi32> to vector<1x4096xf32>
    %mul3A_122 = arith.mulf %convert_element_type3A_121, %select_n3A_69 : vector<1x4096xf32>
    %reduce_sum3A_123 = arith.constant dense<0.000000e+00> : vector<1xf32>
    %reduce_sum3A_124 = vector.multi_reduction <add>, %mul3A_122, %reduce_sum3A_123 [1] : vector<1x4096xf32> to vector<1xf32>
    %broadcast_in_dim3A_125 = vector.shape_cast %reduce_sum3A_124 : vector<1xf32> to vector<1x1xf32>
    %eq3A_126 = arith.constant 1 : i32
    %eq3A_127 = vector.broadcast %eq3A_126 : i32 to vector<1x128xi32>
    %eq3A_128 = arith.cmpi eq, %iota3A, %eq3A_127 : vector<1x128xi32>
    %convert_element_type3A_129 = arith.extui %eq3A_128 : vector<1x128xi1> to vector<1x128xi32>
    %convert_element_type3A_130 = arith.sitofp %convert_element_type3A_129 : vector<1x128xi32> to vector<1x128xf32>
    %mul3A_131 = vector.broadcast %broadcast_in_dim3A_125 : vector<1x1xf32> to vector<1x128xf32>
    %mul3A_132 = arith.mulf %mul3A_131, %convert_element_type3A_130 : vector<1x128xf32>
    %add3A_133 = arith.addf %add3A_119, %mul3A_132 : vector<1x128xf32>
    %convert_element_type3A_134 = arith.extui %eq3A_12 : vector<1x4096xi1> to vector<1x4096xi32>
    %convert_element_type3A_135 = arith.sitofp %convert_element_type3A_134 : vector<1x4096xi32> to vector<1x4096xf32>
    %mul3A_136 = arith.mulf %convert_element_type3A_135, %select_n3A_69 : vector<1x4096xf32>
    %reduce_sum3A_137 = arith.constant dense<0.000000e+00> : vector<1xf32>
    %reduce_sum3A_138 = vector.multi_reduction <add>, %mul3A_136, %reduce_sum3A_137 [1] : vector<1x4096xf32> to vector<1xf32>
    %broadcast_in_dim3A_139 = vector.shape_cast %reduce_sum3A_138 : vector<1xf32> to vector<1x1xf32>
    %eq3A_140 = arith.constant 2 : i32
    %eq3A_141 = vector.broadcast %eq3A_140 : i32 to vector<1x128xi32>
    %eq3A_142 = arith.cmpi eq, %iota3A, %eq3A_141 : vector<1x128xi32>
    %convert_element_type3A_143 = arith.extui %eq3A_142 : vector<1x128xi1> to vector<1x128xi32>
    %convert_element_type3A_144 = arith.sitofp %convert_element_type3A_143 : vector<1x128xi32> to vector<1x128xf32>
    %mul3A_145 = vector.broadcast %broadcast_in_dim3A_139 : vector<1x1xf32> to vector<1x128xf32>
    %mul3A_146 = arith.mulf %mul3A_145, %convert_element_type3A_144 : vector<1x128xf32>
    %add3A_147 = arith.addf %add3A_133, %mul3A_146 : vector<1x128xf32>
    %convert_element_type3A_148 = arith.extui %eq3A_6 : vector<1x4096xi1> to vector<1x4096xi32>
    %convert_element_type3A_149 = arith.sitofp %convert_element_type3A_148 : vector<1x4096xi32> to vector<1x4096xf32>
    %reduce_sum3A_150 = arith.constant dense<0.000000e+00> : vector<1xf32>
    %reduce_sum3A_151 = vector.multi_reduction <add>, %convert_element_type3A_149, %reduce_sum3A_150 [1] : vector<1x4096xf32> to vector<1xf32>
    %broadcast_in_dim3A_152 = vector.shape_cast %reduce_sum3A_151 : vector<1xf32> to vector<1x1xf32>
    %eq3A_153 = arith.constant 0 : i32
    %eq3A_154 = vector.broadcast %eq3A_153 : i32 to vector<1x128xi32>
    %eq3A_155 = arith.cmpi eq, %iota3A, %eq3A_154 : vector<1x128xi32>
    %convert_element_type3A_156 = arith.extui %eq3A_155 : vector<1x128xi1> to vector<1x128xi32>
    %convert_element_type3A_157 = arith.sitofp %convert_element_type3A_156 : vector<1x128xi32> to vector<1x128xf32>
    %mul3A_158 = vector.broadcast %broadcast_in_dim3A_152 : vector<1x1xf32> to vector<1x128xf32>
    %mul3A_159 = arith.mulf %mul3A_158, %convert_element_type3A_157 : vector<1x128xf32>
    %add3A_160 = arith.constant 0.000000e+00 : f32
    %add3A_161 = vector.broadcast %add3A_160 : f32 to vector<1x128xf32>
    %add3A_162 = arith.addf %add3A_161, %mul3A_159 : vector<1x128xf32>
    %convert_element_type3A_163 = arith.extui %eq3A_9 : vector<1x4096xi1> to vector<1x4096xi32>
    %convert_element_type3A_164 = arith.sitofp %convert_element_type3A_163 : vector<1x4096xi32> to vector<1x4096xf32>
    %reduce_sum3A_165 = arith.constant dense<0.000000e+00> : vector<1xf32>
    %reduce_sum3A_166 = vector.multi_reduction <add>, %convert_element_type3A_164, %reduce_sum3A_165 [1] : vector<1x4096xf32> to vector<1xf32>
    %broadcast_in_dim3A_167 = vector.shape_cast %reduce_sum3A_166 : vector<1xf32> to vector<1x1xf32>
    %eq3A_168 = arith.constant 1 : i32
    %eq3A_169 = vector.broadcast %eq3A_168 : i32 to vector<1x128xi32>
    %eq3A_170 = arith.cmpi eq, %iota3A, %eq3A_169 : vector<1x128xi32>
    %convert_element_type3A_171 = arith.extui %eq3A_170 : vector<1x128xi1> to vector<1x128xi32>
    %convert_element_type3A_172 = arith.sitofp %convert_element_type3A_171 : vector<1x128xi32> to vector<1x128xf32>
    %mul3A_173 = vector.broadcast %broadcast_in_dim3A_167 : vector<1x1xf32> to vector<1x128xf32>
    %mul3A_174 = arith.mulf %mul3A_173, %convert_element_type3A_172 : vector<1x128xf32>
    %add3A_175 = arith.addf %add3A_162, %mul3A_174 : vector<1x128xf32>
    %convert_element_type3A_176 = arith.extui %eq3A_12 : vector<1x4096xi1> to vector<1x4096xi32>
    %convert_element_type3A_177 = arith.sitofp %convert_element_type3A_176 : vector<1x4096xi32> to vector<1x4096xf32>
    %reduce_sum3A_178 = arith.constant dense<0.000000e+00> : vector<1xf32>
    %reduce_sum3A_179 = vector.multi_reduction <add>, %convert_element_type3A_177, %reduce_sum3A_178 [1] : vector<1x4096xf32> to vector<1xf32>
    %broadcast_in_dim3A_180 = vector.shape_cast %reduce_sum3A_179 : vector<1xf32> to vector<1x1xf32>
    %eq3A_181 = arith.constant 2 : i32
    %eq3A_182 = vector.broadcast %eq3A_181 : i32 to vector<1x128xi32>
    %eq3A_183 = arith.cmpi eq, %iota3A, %eq3A_182 : vector<1x128xi32>
    %convert_element_type3A_184 = arith.extui %eq3A_183 : vector<1x128xi1> to vector<1x128xi32>
    %convert_element_type3A_185 = arith.sitofp %convert_element_type3A_184 : vector<1x128xi32> to vector<1x128xf32>
    %mul3A_186 = vector.broadcast %broadcast_in_dim3A_180 : vector<1x1xf32> to vector<1x128xf32>
    %mul3A_187 = arith.mulf %mul3A_186, %convert_element_type3A_185 : vector<1x128xf32>
    %add3A_188 = arith.addf %add3A_175, %mul3A_187 : vector<1x128xf32>
    %eq3A_189 = arith.constant 0 : i32
    %eq3A_190 = arith.cmpi eq, %arg0, %eq3A_189 : i32
    %convert_element_type3A_191 = arith.extui %eq3A_190 : i1 to i32
    %cond3A = arith.constant 0 : i32
    %cond3A_192 = arith.cmpi ne, %convert_element_type3A_191, %cond3A : i32
    scf.if %cond3A_192 {
      %broadcast_in_dim3A_212 = arith.constant 0.000000e+00 : f32
      %broadcast_in_dim3A_213 = vector.broadcast %broadcast_in_dim3A_212 : f32 to vector<8x128xf32>
      %swap3A_214 = arith.constant 0 : index
      %swap3A_215 = arith.constant 0 : index
      %swap3A_216 = vector.load %arg6[%swap3A_214, %swap3A_215] : memref<8x128xf32, #tpu.memory_space<vmem>>, vector<8x128xf32>
      tpu.vector_store %arg6[%swap3A_214, %swap3A_215], %broadcast_in_dim3A_213 {strides = array<i32>} : memref<8x128xf32, #tpu.memory_space<vmem>>, vector<8x128xf32>,
    } else {
    }
    %get3A_193 = arith.constant 0 : index
    %get3A_194 = arith.constant 0 : index
    %get3A_195 = vector.load %arg6[%get3A_193, %get3A_194] : memref<8x128xf32, #tpu.memory_space<vmem>>, vector<1x128xf32>
    %add3A_196 = arith.addf %get3A_195, %add3A_147 : vector<1x128xf32>
    %swap3A_197 = arith.constant 0 : index
    %swap3A_198 = arith.constant 0 : index
    %swap3A_199 = vector.load %arg6[%swap3A_197, %swap3A_198] : memref<8x128xf32, #tpu.memory_space<vmem>>, vector<1x128xf32>
    tpu.vector_store %arg6[%swap3A_197, %swap3A_198], %add3A_196 {strides = array<i32>} : memref<8x128xf32, #tpu.memory_space<vmem>>, vector<1x128xf32>,
    %get3A_200 = arith.constant 1 : index
    %get3A_201 = arith.constant 0 : index
    %get3A_202 = vector.load %arg6[%get3A_200, %get3A_201] : memref<8x128xf32, #tpu.memory_space<vmem>>, vector<1x128xf32>
    %add3A_203 = arith.addf %get3A_202, %add3A_188 : vector<1x128xf32>
    %swap3A_204 = arith.constant 1 : index
    %swap3A_205 = arith.constant 0 : index
    %swap3A_206 = vector.load %arg6[%swap3A_204, %swap3A_205] : memref<8x128xf32, #tpu.memory_space<vmem>>, vector<1x128xf32>
    tpu.vector_store %arg6[%swap3A_204, %swap3A_205], %add3A_203 {strides = array<i32>} : memref<8x128xf32, #tpu.memory_space<vmem>>, vector<1x128xf32>,
    %eq3A_207 = arith.constant 3 : i32
    %eq3A_208 = arith.cmpi eq, %arg0, %eq3A_207 : i32
    %convert_element_type3A_209 = arith.extui %eq3A_208 : i1 to i32
    %cond3A_210 = arith.constant 0 : i32
    %cond3A_211 = arith.cmpi ne, %convert_element_type3A_209, %cond3A_210 : i32
    scf.if %cond3A_211 {
      %get3A_212 = arith.constant 0 : index
      %get3A_213 = arith.constant 0 : index
      %get3A_214 = vector.load %arg6[%get3A_212, %get3A_213] : memref<8x128xf32, #tpu.memory_space<vmem>>, vector<1x128xf32>
      %get3A_215 = arith.constant 1 : index
      %get3A_216 = arith.constant 0 : index
      %get3A_217 = vector.load %arg6[%get3A_215, %get3A_216] : memref<8x128xf32, #tpu.memory_space<vmem>>, vector<1x128xf32>
      %gt3A = arith.constant 0.000000e+00 : f32
      %gt3A_218 = vector.broadcast %gt3A : f32 to vector<1x128xf32>
      %gt3A_219 = arith.cmpf ogt, %get3A_217, %gt3A_218 : vector<1x128xf32>
      %max3A_220 = arith.constant 1.000000e+00 : f32
      %max3A_221 = vector.broadcast %max3A_220 : f32 to vector<1x128xf32>
      %max3A_222 = arith.maximumf %get3A_217, %max3A_221 : vector<1x128xf32>
      %div3A_223 = arith.divf %get3A_214, %max3A_222 : vector<1x128xf32>
      %jit3A_224 = arith.constant 0.000000e+00 : f32
      %broadcast_in_dim3A_225 = vector.broadcast %jit3A_224 : f32 to vector<1x128xf32>
      %select_n3A_226 = arith.select %gt3A_219, %div3A_223, %broadcast_in_dim3A_225 : vector<1x128xi1>, vector<1x128xf32>
      %reduce_sum3A_227 = vector.shape_cast %select_n3A_226 : vector<1x128xf32> to vector<1x1x128xf32>
      %reduce_sum3A_228 = arith.constant dense<0.000000e+00> : vector<1xf32>
      %reduce_sum3A_229 = vector.multi_reduction <add>, %reduce_sum3A_227, %reduce_sum3A_228 [1, 2] : vector<1x1x128xf32> to vector<1xf32>
      %reduce_sum3A_230 = vector.shape_cast %reduce_sum3A_229 : vector<1xf32> to vector<1x1x1xf32>
      %reduce_sum3A_231 = vector.extract %reduce_sum3A_230[0, 0, 0] : f32 from vector<1x1x1xf32>
      %broadcast_in_dim3A_232 = vector.broadcast %reduce_sum3A_231 : f32 to vector<8x128xf32>
      %swap3A_233 = arith.constant 0 : index
      %swap3A_234 = arith.constant 0 : index
      %swap3A_235 = vector.load %arg6[%swap3A_233, %swap3A_234] : memref<8x128xf32, #tpu.memory_space<vmem>>, vector<8x128xf32>
      tpu.vector_store %arg6[%swap3A_233, %swap3A_234], %broadcast_in_dim3A_232 {strides = array<i32>} : memref<8x128xf32, #tpu.memory_space<vmem>>, vector<8x128xf32>,
    } else {
    }
    return
  }
  func.func @transform_0(%arg0: i32) -> (i32, i32) {
    %c0_i32 = arith.constant 0 : i32
    %c0_i32_0 = arith.constant 0 : i32
    return %arg0, %c0_i32 : i32, i32
  }
  func.func @transform_1(%arg0: i32) -> (i32, i32) {
    %c0_i32 = arith.constant 0 : i32
    %c0_i32_0 = arith.constant 0 : i32
    return %c0_i32, %arg0 : i32, i32
  }
  func.func @transform_2(%arg0: i32) -> (i32, i32, i32) {
    %c0_i32 = arith.constant 0 : i32
    %c0_i32_0 = arith.constant 0 : i32
    %c0_i32_1 = arith.constant 0 : i32
    %c0_i32_2 = arith.constant 0 : i32
    return %c0_i32, %c0_i32_0, %c0_i32_1 : i32, i32, i32
  }
  func.func @transform_3(%arg0: i32) -> (i32, i32) {
    %c0_i32 = arith.constant 0 : i32
    %c0_i32_0 = arith.constant 0 : i32
    %c0_i32_1 = arith.constant 0 : i32
    return %c0_i32, %c0_i32_0 : i32, i32
  }
  func.func @transform_4(%arg0: i32) -> (i32, i32) {
    %c0_i32 = arith.constant 0 : i32
    %c0_i32_0 = arith.constant 0 : i32
    return %c0_i32, %arg0 : i32, i32
  }
  func.func @transform_5(%arg0: i32) -> (i32, i32) {
    %c0_i32 = arith.constant 0 : i32
    %c0_i32_0 = arith.constant 0 : i32
    %c0_i32_1 = arith.constant 0 : i32
    return %c0_i32, %c0_i32_0 : i32, i32
  }
}

</mosaic_0001>

<sc_bundles>
// kernel: kernel.4.cloned.1.call-start
scs
__scs_entry_jumppad:
0x0: {  	(pc) =	sbr.rel $0x88, $3  }
0x1: {  	(tag) =	ssettag $0x0;
	lr =	simm.s32 $0x1  }
0x2: {  	[smem:$0x3F9A] =	sst lr;
	_ =	strace $0xD0000000  }
0x3: {  	_ = 	snop  }
0x4: {  	_ = 	snop  }
0x5: {  	_ = 	snop  }
0x6: {  	_ = 	snop  }
0x7: {  	_ = 	snop  }
__scs_overlays_trampoline_lowered:
0x8: {  	[smem:$0x3FA9] =	sst s0  }
0x9: {  	[smem:$0x3FAA] =	sst s1  }
0xa: {  	[smem:$0x3FAB] =	sst s2  }
0xb: {  	[smem:$0x3FAC] =	sst s3  }
0xc: {  	[smem:$0x3FAD] =	sst s4  }
0xd: {  	[smem:$0x3FAE] =	sst s5  }
0xe: {  	[smem:$0x3FAF] =	sst s6  }
0xf: {  	[smem:$0x3FB0] =	sst s7  }
0x10: {  	[smem:$0x3FB1] =	sst s8  }
0x11: {  	[smem:$0x3FB2] =	sst s9;
	s0 =	simm.s32 @!p0 $0x0  }
0x12: {  	s1 =	sld [smem:$0x3F98];
	s0 =	simm.s32 @p0 $0x1  }
0x13: {  	[smem:$0x3FB3] =	sst s0;
	s0 =	simm.s32 @!p1 $0x0  }
0x14: {  	s2 =	sld [smem:$0x3F97];
	s0 =	simm.s32 @p1 $0x1  }
0x15: {  	[smem:$0x3FB4] =	sst s0;
	s0 =	simm.s32 @!p2 $0x0  }
0x16: {  	s3 =	sld [smem:$0x3FDB];
	s0 =	simm.s32 @p2 $0x1  }
0x17: {  	s4 =	simm.s32 $0x1BF5;
	[smem:$0x3FB6] =	sst s0  }
0x18: {  	s0 =	sld [smem:$0x3F99];
	_ =	swait.ge [sflag:s4], $0x0  }
0x19: {  	s7 =	sld [smem:$0x3F9A]  }
0x1a: {  	s8 =	sadd.s32 $0xFFFFE003, lr  }
0x1b: {  	s9 =	sadd.s32 $0xFFFFFEF7, lr;
	s5 =	simm.s32 $0xFFFFFFFF;
	p2 =	slt.u32 s8, $0xFFFFF086  }
0x1c: {  	p1 =	slt.u32 s9, $0xF7A;
	s5 =	simm.s32 @!p2 $0x0  }
0x1d: {  	s5 =	simm.s32 @p1 $0x1;
	p0 =	seq.s32 s7, s2  }
0x1e: {  	s7 =	smul.u32 @!p0 $0xF7A, s2;
	p2 =	seq.s32 @!p0 s5, $0x0  }
0x1f: {  	s9 =	smul.u32 $0xF7A, s1;
	s8 =	simm.s32 @!p0 $0x1BF5;
	p2 =	por !p2, p0  }
0x20: {  	[sflag:s8] =	ssyncset.s32 @!p0 $0xFFFFF086;
	s6 =	sadd.s32 @!p0 s3, s7;
	s7 =	simm.s32 @!p0 $0x108  }
0x21: {  	s3 =	sadd.s32 s3, s9;
	s6 =	sadd.s32 @!p0 $0x88, s6;
	s7 =	simm.s32 @p2 $0x1082  }
0x22: {  	[simem:s7], [sflag:s8] =	dma.local @!p0 [hbm:s6], $0xF7A  }
0x23: {  	s9 =	sor.u32 $0xD0000000, s2;
	s6 =	simm.s32 $0x108;
	_ =	swait.ge @!p0 [sflag:s8], $0x0  }
0x24: {  	s3 =	sadd.s32 $0x88, s3;
	s6 =	simm.s32 @!p1 $0x1082;
	[sflag:s4] =	ssyncset.s32 $0xFFFFF086  }
0x25: {  	[simem:s6], [sflag:s4] =	dma.local [hbm:s3], $0xF7A  }
0x26: {  	[smem:$0x3F9A] =	sst s1;
	(tag) =	ssettag s2;
	_ =	strace s9  }
0x27: {  	s1 =	sld [smem:$0x3FAA]  }
0x28: {  	s2 =	sld [smem:$0x3FAB]  }
0x29: {  	s4 =	sld [smem:$0x3FAD]  }
0x2a: {  	p0 =	seq.s32 s5, $0x0;
	s5 =	sld [smem:$0x3FAE]  }
0x2b: {  	s6 =	sld [smem:$0x3FAF]  }
0x2c: {  	s7 =	sld [smem:$0x3FB0]  }
0x2d: {  	s3 =	simm.s32 $0x108;
	s8 =	sld [smem:$0x3FB1]  }
0x2e: {  	s3 =	simm.s32 @!p0 $0x1082;
	s9 =	sld [smem:$0x3FB2]  }
0x2f: {  	lr =	sadd.s32 s0, s3;
	s0 =	sld [smem:$0x3FA9]  }
0x30: {  	s3 =	sld [smem:$0x3FAC]  }
0x31: {  	[smem:$0x3FB5] =	sst s10  }
0x32: {  	s10 =	sld [smem:$0x3FB3];
	_ =	sdelay $0x3  }
0x33: {  	p0 =	seq.s32 s10, $0x1;
	s10 =	sld [smem:$0x3FB5];
	_ =	sdelay $0x3  }
0x34: {  	[smem:$0x3FB5] =	sst s10  }
0x35: {  	s10 =	sld [smem:$0x3FB4];
	_ =	sdelay $0x3  }
0x36: {  	p1 =	seq.s32 s10, $0x1;
	s10 =	sld [smem:$0x3FB5];
	_ =	sdelay $0x3  }
0x37: {  	[smem:$0x3FB5] =	sst s10  }
0x38: {  	s10 =	sld [smem:$0x3FB6]  }
0x39: {  	_ = 	snop;
	(pc) =	sbr.ind lr, $3  }
0x3a: {  	_ = 	snop  }
0x3b: {  	_ = 	snop  }
0x3c: {  	p2 =	seq.s32 s10, $0x1;
	s10 =	sld [smem:$0x3FB5]  }
0x3d: {  	_ =	shalt  }
0x3e: {  	_ =	shalt  }
0x3f: {  	_ =	shalt  }
0x40: {  	_ =	shalt  }
0x41: {  	_ =	shalt  }
0x42: {  	_ =	shalt  }
0x43: {  	_ =	shalt  }
0x44: {  	_ =	shalt  }
0x45: {  	_ =	shalt  }
0x46: {  	_ =	shalt  }
0x47: {  	_ =	shalt  }
0x48: {  	_ =	shalt  }
0x49: {  	_ =	shalt  }
0x4a: {  	_ =	shalt  }
0x4b: {  	_ =	shalt  }
0x4c: {  	_ =	shalt  }
0x4d: {  	_ =	shalt  }
0x4e: {  	_ =	shalt  }
0x4f: {  	_ =	shalt  }
0x50: {  	_ =	shalt  }
0x51: {  	_ =	shalt  }
0x52: {  	_ =	shalt  }
0x53: {  	_ =	shalt  }
0x54: {  	_ =	shalt  }
0x55: {  	_ =	shalt  }
0x56: {  	_ =	shalt  }
0x57: {  	_ =	shalt  }
0x58: {  	_ =	shalt  }
0x59: {  	_ =	shalt  }
0x5a: {  	_ =	shalt  }
0x5b: {  	_ =	shalt  }
0x5c: {  	_ =	shalt  }
0x5d: {  	_ =	shalt  }
0x5e: {  	_ =	shalt  }
0x5f: {  	_ =	shalt  }
0x60: {  	_ =	shalt  }
0x61: {  	_ =	shalt  }
0x62: {  	_ =	shalt  }
0x63: {  	_ =	shalt  }
0x64: {  	_ =	shalt  }
0x65: {  	_ =	shalt  }
0x66: {  	_ =	shalt  }
0x67: {  	_ =	shalt  }
0x68: {  	_ =	shalt  }
0x69: {  	_ =	shalt  }
0x6a: {  	_ =	shalt  }
0x6b: {  	_ =	shalt  }
0x6c: {  	_ =	shalt  }
0x6d: {  	_ =	shalt  }
0x6e: {  	_ =	shalt  }
0x6f: {  	_ =	shalt  }
0x70: {  	_ =	shalt  }
0x71: {  	_ =	shalt  }
0x72: {  	_ =	shalt  }
0x73: {  	_ =	shalt  }
0x74: {  	_ =	shalt  }
0x75: {  	_ =	shalt  }
0x76: {  	_ =	shalt  }
0x77: {  	_ =	shalt  }
0x78: {  	_ =	shalt  }
0x79: {  	_ =	shalt  }
0x7a: {  	_ =	shalt  }
0x7b: {  	_ =	shalt  }
0x7c: {  	_ =	shalt  }
0x7d: {  	_ =	shalt  }
0x7e: {  	_ =	shalt  }
0x7f: {  	_ =	shalt  }
0x80: {  	_ =	shalt  }
0x81: {  	_ =	shalt  }
0x82: {  	_ =	shalt  }
0x83: {  	_ =	shalt  }
0x84: {  	_ =	shalt  }
0x85: {  	_ =	shalt  }
0x86: {  	_ =	shalt  }
0x87: {  	_ =	shalt  }
.Lfunc_end0:
.L_simem_size_0:
called_computation_lowered:
.L_overlay_start_0:
0x88: {  	s2 =	sld [smem:$0x3FD9]  }
0x89: {  	s3 =	sld [smem:$0x3FFE];
	_ =	sdelay $0x1  }
0x8a: {  	s1 =	srdreg.scid  }
0x8b: {  	s0 =	sand.u32 $0x1, s1  }
0x8c: {  	s17 =	sshll.u32 s0, $0xA;
	s2 =	sadd.s32 s3, s2  }
0x8d: {  	s2 =	sadd.s32 s2, s17  }
0x8e: {  	[smem:$0x3FC1] =	sst s2  }
0x8f: {  	_ = 	snop  }
0x90: {  	s2 =	sld [smem:$0x3FC9]  }
0x91: {  	s18 =	sld [smem:$0x3FC8];
	(tm) =	ssettm $0x1  }
0x92: {  	s4 =	sld [smem:$0x3FFB];
	_ =	sdelay $0x3  }
0x93: {  	_ =	strace s4  }
0x94: {  	s4 =	sld [smem:$0x3FFC];
	_ =	sdelay $0x3  }
0x95: {  	_ =	strace s4  }
0x96: {  	s4 =	sld [smem:$0x3FFD];
	_ =	sdelay $0x3  }
0x97: {  	_ =	strace s4  }
0x98: {  	_ =	strace $0x8FFFFFFF  }
0x99: {  	s19 =	sld [smem:$0x3FDB];
	_ =	sdelay $0x1  }
0x9a: {  	s5 =	simm.s32 $_scs_section_size  }
0x9b: {  	s6 =	simm.s32 $_size__tile_overlayer_lowered;
	s7 =	simm.s32 $_tile_overlayer_lowered  }
0x9c: {  	s22 =	simm.s32 $0x1BFF;
	s21 =	sshll.u32 s7, $0x1;
	s4 =	sadd.s32 s5, s19  }
0x9d: {  	s8 =	simm.s32 $0x0;
	s20 =	sshll.u32 s6, $0x1;
	s6 =	sadd.s32 s21, s4  }
0x9e: {  	[timem:s8], [sflag:s22] =	dma.local [hbm:s6], s20  }
0x9f: {  	_ =	swait.ge [sflag:s22], s20  }
0xa0: {  	s5 =	ssub.s32 $0x0, s20;
	[sflag:s22] =	ssyncset.done $0x0  }
0xa1: {  	[sflag:s22] =	ssyncadd.s32 s5;
	_ =	sdelay $0x1  }
0xa2: {  	s23 =	simm.s32 $0x1B8B  }
0xa3: {  	_ =	swait.ge [sflag:s23], $0x1  }
0xa4: {  	[sflag:s23] =	ssyncset.done $0x0  }
0xa5: {  	s25 =	simm.s32 $0x1B8E;
	s24 =	sld [smem:$0x3FFE];
	[sflag:s23] =	ssyncadd.s32 $0xFFFFFFFF  }
0xa6: {  	s26 =	simm.s32 $execute0_lowered;
	[smem:$0x3FD2] =	sst s25  }
0xa7: {  	s6 =	sshll.u32 s26, $0x1;
	_ =	strace $0x80000046;
	[dreg:$0x1] =	wrdreg $0xFFFFFFFF  }
0xa8: {  	s28 =	simm.s32 $_size_execute0_lowered;
	s4 =	sadd.s32 s4, s6;
	[dreg:$0x0] =	wrdreg $0x0  }
0xa9: {  	s6 =	sshll.u32 s28, $0x1;
	[dreg:$0x2] =	wrdreg s4  }
0xaa: {  	[dreg:$0x3] =	wrdreg s6  }
0xab: {  	[dreg:$0x4] =	wrdreg $0xC0  }
0xac: {  	_ =	task [dreg:s8], $0x5FFFF  }
0xad: {  	[dreg:$0x1] =	wrdreg $0xFFFFFFFF  }
0xae: {  	[dreg:$0x0] =	wrdreg $0x60  }
0xaf: {  	[dreg:$0x2] =	wrdreg s2  }
0xb0: {  	[dreg:$0x3] =	wrdreg s18  }
0xb1: {  	[dreg:$0x4] =	wrdreg s24  }
0xb2: {  	[dreg:$0x5] =	wrdreg $0x9  }
0xb3: {  	_ =	task.clear_ibuf [dreg:s8], $0x6FFFF;
	_ =	strace $0x90000046  }
0xb4: {  	s29 =	simm.s32 $0x9;
	_ =	strace $0x80000048  }
0xb5: {  	_ =	swait.ge [sflag:s29], $0x1  }
0xb6: {  	[sflag:s29] =	ssyncadd.s32 $0xFFFFFFFF  }
0xb7: {  	_ =	strace $0x90000048  }
0xb8: {  	_ =	sfence  }
0xb9: {  	s30 =	sld [smem:$0x0];
	_ =	sdelay $0x2  }
0xba: {  	s31 =	sshll.u32 s1, $0xD;
	s1 =	sshrl.u32 s1, $0x2  }
0xbb: {  	s3 =	sand.u32 $0x4000, s31;
	s1 =	sadd.s32 s1, s30  }
0xbc: {  	s0 =	sor.u32 s3, s0;
	s1 =	sshll.u32 s1, $0x11  }
0xbd: {  	s0 =	sor.u32 s1, s0  }
0xbe: {  	s0 =	sadd.s32 $0x8F2B, s0  }
0xbf: {  	[sflag:s0] =	ssyncadd.remote.s32 $0x1  }
0xc0: {  	_ =	sfence.sel $0xFFFF  }
0xc1: {  	[dreg:$0x0] =	wrdreg $0xFFFFFFFF;
	(pc) =	sbr.abs _section_cstart, $3  }
0xc2: {  	[dreg:$0x1] =	wrdreg $0xFFFFFFFF  }
0xc3: {  	_ =	task.clear_ibuf [dreg:s8], $0x2FFFF;
	_ =	strace $0x9FFFFFFF  }
0xc4: {  	(tm) =	ssettm $0x7FFFFFFF  }
0xc5: {  	_ =	shalt  }
tec
execute0_lowered:
.L_overlay_start_1:
0x0: {  	(tag) =	ssettag $0x1  }
0x1: {  	s4 =	rddreg [dreg:$0x0]  }
0x2: {  	s3 =	rddreg [dreg:$0x1];
	s2 =	srdreg.scid  }
0x3: {  	s5 =	rddreg [dreg:$0x2];
	s6 =	sand.u32 $0x1, s2  }
0x4: {  	s0 =	rddreg [dreg:$0x3];
	s8 =	sshll.u32 s6, $0x9;
	s6 =	ssub.s32 $0x2, s6  }
0x5: {  	s1 =	stileid.u32;
	s10 =	simm.s32 $0x100;
	s9 =	sshrl.u32 s6, $0x1  }
0x6: {  	s11 =	simm.s32 $0x8200;
	s12 =	simm.s32 $0x180;
	s6 =	ssub.s32 s6, s9  }
0x7: {  	s13 =	simm.s32 $0xC200;
	p0 =	por $0x0, $0x0;
	s15 =	smax.u32 s6, $0x1  }
0x8: {  	s2 =	simm.s32 $0x0;
	s7 =	sshll.u32 s1, $0xA;
	p1 =	sne.s32 s15, $0x1  }
.Ltmp0:
0x9: {  	[smem:$0x7FF] =	sst s2;
	s7 =	sor.u32 s8, s7;
	(pc) =	sbr.rel @!p1 .LBB2_3-.Ltmp0, $4  }
0xa: {  	_ =	strace $0x80000047;
	s8 =	sshll.u32 s7, $0x4;
	s7 =	sshrl.u32 s7, $0x3  }
0xb: {  	s9 =	simm.s32 $0x4200;
	s5 =	sadd.s32 s8, s5;
	s14 =	sadd.s32 s4, s7  }
0xc: {  	s4 =	simm.s32 $0x2;
	s8 =	simm.s32 $0x80;
	s6 =	simm.s32 $0x200  }
0xd: {  	s7 =	simm.s32 $0x1;
	s5 =	sadd.s32 $0x1000, s5;
	s15 =	sadd.s32 $0xFFFFFFFF, s15  }
0xe: {  	[tilespmem:s2], [sflag:$0x2] =	stream.linear.gather [hbm4b:s14+s2], $0x200, $0x38;
	[tilespmem:$0x10200] =	vst v63  }
0xf: {  	_ =	swait.ge [sflag:s4], $0x200  }
0x10: {  	[sflag:s4] =	ssyncset.done $0x0  }
0x11: {  	[sflag:s4] =	ssyncadd.s32 $0xFFFFFE00  }
0x12: {  	v0 =	vld [tilespmem:$0xD0]  }
0x13: {  	v1 =	vld [tilespmem:$0x80]  }
0x14: {  	v2 =	vld [tilespmem:$0x170]  }
0x15: {  	v3 =	vld [tilespmem:$0x180]  }
0x16: {  	v9 =	vld [tilespmem:$0x70]  }
0x17: {  	v4 =	vld [tilespmem:$0x1A0]  }
0x18: {  	v5 =	vld [tilespmem:$0x1D0];
	v1 =	vadd.s32 $0xFFFFFFFF, v1  }
0x19: {  	v6 =	vld [tilespmem:$0x160];
	v0 =	vadd.s32 $0xFFFFFFFF, v0;
	v2 =	vadd.s32 $0xFFFFFFFF, v2;
	vm0 =	vgt.s32 v1, $0x0  }
0x1a: {  	v7 =	vld [tilespmem:$0x1C0];
	v3 =	vadd.s32 $0xFFFFFFFF, v3;
	vm1 =	vgt.s32 v0, $0x0;
	v1 =	vnsel vm0, $0x0, v1  }
0x1b: {  	v46 =	vld [tilespmem:$0xE0];
	v9 =	vadd.s32 $0xFFFFFFFF, v9;
	vm11 =	vgt.s32 v2, $0x0;
	v0 =	vnsel vm1, $0x0, v0;
	[tilespmem:$0x80] =	vst v1  }
0x1c: {  	v41 =	vld [tilespmem:$0x1E0];
	vm6 =	vgt.s32 v9, $0x0;
	v1 =	vnsel vm11, $0x0, v2;
	v2 =	vadd.s32 $0xFFFFFFFF, v4;
	[tilespmem:$0xD0] =	vst v0  }
0x1d: {  	v43 =	vld [tilespmem:$0x50];
	v49 =	vnsel vm6, $0x0, v9;
	[tilespmem:$0x170] =	vst v1;
	vm12 =	vgt.s32 v2, $0x0;
	v1 =	vadd.s32 $0xFFFFFFFF, v5  }
0x1e: {  	v8 =	vld [tilespmem:$0x1B0];
	v42 =	vadd.s32 $0xFFFFFFFF, v6;
	[tilespmem:$0x70] =	vst v49;
	v0 =	vnsel vm12, $0x0, v2;
	vm13 =	vgt.s32 v1, $0x0  }
0x1f: {  	v44 =	vld [tilespmem:$0x40];
	vm14 =	vgt.s32 v42, $0x0;
	v2 =	vadd.s32 $0xFFFFFFFF, v7;
	[tilespmem:$0x1A0] =	vst v0;
	v0 =	vnsel vm13, $0x0, v1  }
0x20: {  	v52 =	vadd.s32 $0xFFFFFFFF, v46;
	v1 =	vnsel vm14, $0x0, v42;
	vm15 =	vgt.s32 v2, $0x0;
	[tilespmem:$0x1D0] =	vst v0;
	v0 =	vld [tilespmem:$0x10]  }
0x21: {  	v47 =	vld [tilespmem:$0x30];
	vm9 =	vgt.s32 v52, $0x0;
	v2 =	vnsel vm15, $0x0, v2;
	[tilespmem:$0x160] =	vst v1;
	v1 =	vadd.s32 $0xFFFFFFFF, v41  }
0x22: {  	v6 =	vadd.s32 $0xFFFFFFFF, v43;
	v54 =	vnsel vm9, $0x0, v52;
	[tilespmem:$0x1C0] =	vst v2;
	vm5 =	vgt.s32 v1, $0x0;
	v2 =	vld [tilespmem:$0x20]  }
0x23: {  	v50 =	vld [tilespmem:$0xC0];
	v45 =	vadd.s32 $0xFFFFFFFF, v8;
	vm7 =	vgt.s32 v6, $0x0;
	[tilespmem:$0xE0] =	vst v54;
	v1 =	vnsel vm5, $0x0, v1  }
0x24: {  	v51 =	vld [tilespmem:$0xA0];
	v48 =	vadd.s32 $0xFFFFFFFF, v44;
	vm4 =	vgt.s32 v45, $0x0;
	[tilespmem:$0x1E0] =	vst v1;
	v1 =	vnsel vm7, $0x0, v6  }
0x25: {  	vm8 =	vgt.s32 v48, $0x0;
	v5 =	vnsel vm4, $0x0, v45;
	[tilespmem:$0x50] =	vst v1;
	v1 =	vld [tilespmem:$0x90];
	v0 =	vadd.s32 $0xFFFFFFFF, v0  }
0x26: {  	v55 =	vld [tilespmem:$0x60];
	v4 =	vadd.s32 $0xFFFFFFFF, v47;
	[tilespmem:$0x1B0] =	vst v5;
	v5 =	vnsel vm8, $0x0, v48;
	vm10 =	vgt.s32 v0, $0x0  }
0x27: {  	v53 =	vld [tilespmem:$0x0];
	vm11 =	vgt.s32 v4, $0x0;
	[tilespmem:$0x40] =	vst v5;
	v2 =	vadd.s32 $0xFFFFFFFF, v2;
	v0 =	vnsel vm10, $0x0, v0  }
0x28: {  	v56 =	vld [tilespmem:$0x110];
	v4 =	vnsel vm11, $0x0, v4;
	vm12 =	vgt.s32 v2, $0x0;
	[tilespmem:$0x10] =	vst v0;
	v0 =	vadd.s32 $0xFFFFFFFF, v50  }
0x29: {  	v58 =	vld [tilespmem:$0xB0];
	v57 =	vadd.s32 $0xFFFFFFFF, v51;
	[tilespmem:$0x30] =	vst v4;
	v2 =	vnsel vm12, $0x0, v2;
	vm13 =	vgt.s32 v0, $0x0  }
0x2a: {  	vm14 =	vgt.s32 v57, $0x0;
	[tilespmem:$0x20] =	vst v2;
	v1 =	vadd.s32 $0xFFFFFFFF, v1;
	v2 =	vld [tilespmem:$0x100];
	v0 =	vnsel vm13, $0x0, v0  }
0x2b: {  	v7 =	vadd.s32 $0xFFFFFFFF, v55;
	v4 =	vnsel vm14, $0x0, v57;
	vm2 =	vgt.s32 v1, $0x0;
	[tilespmem:$0xC0] =	vst v0;
	v0 =	vld [tilespmem:$0xF0]  }
0x2c: {  	v59 =	vld [tilespmem:$0x1F0];
	v8 =	vadd.s32 $0xFFFFFFFF, v53;
	vm4 =	vgt.s32 v7, $0x0;
	[tilespmem:$0xA0] =	vst v4;
	v1 =	vnsel vm2, $0x0, v1  }
0x2d: {  	v5 =	vadd.s32 $0xFFFFFFFF, v56;
	vm15 =	vgt.s32 v3, $0x0;
	v7 =	vnsel vm4, $0x0, v7;
	[tilespmem:$0x90] =	vst v1;
	v1 =	vld [tilespmem:$0x150]  }
0x2e: {  	v60 =	vld [tilespmem:$0x140];
	v3 =	vnsel vm15, $0x0, v3;
	[tilespmem:$0x60] =	vst v7;
	vm5 =	vgt.s32 v5, $0x0;
	v6 =	vadd.s32 $0xFFFFFFFF, v58  }
0x2f: {  	v61 =	vld [tilespmem:$0x130];
	[tilespmem:$0x180] =	vst v3;
	v3 =	vnsel vm5, $0x0, v5;
	vm6 =	vgt.s32 v6, $0x0;
	v2 =	vadd.s32 $0xFFFFFFFF, v2  }
0x30: {  	[tilespmem:$0x110] =	vst v3;
	v3 =	vld [tilespmem:$0x120];
	v6 =	vnsel vm6, $0x0, v6;
	vm7 =	vgt.s32 v2, $0x0;
	v0 =	vadd.s32 $0xFFFFFFFF, v0  }
0x31: {  	v62 =	vld [tilespmem:$0x190];
	v4 =	vadd.s32 $0xFFFFFFFF, v59;
	[tilespmem:$0xB0] =	vst v6;
	v2 =	vnsel vm7, $0x0, v2;
	vm8 =	vgt.s32 v0, $0x0  }
0x32: {  	vm9 =	vgt.s32 v4, $0x0;
	[tilespmem:$0x100] =	vst v2;
	v1 =	vadd.s32 $0xFFFFFFFF, v1;
	v0 =	vnsel vm8, $0x0, v0  }
0x33: {  	p1 =	sne.s32 s15, $0x1;
	v2 =	vnsel vm9, $0x0, v4;
	vm10 =	vgt.s32 v1, $0x0;
	[tilespmem:$0xF0] =	vst v0;
	v0 =	vadd.s32 $0xFFFFFFFF, v60  }
.Ltmp1:
0x34: {  	v63 =	vadd.s32 $0xFFFFFFFF, v61;
	[tilespmem:$0x1F0] =	vst v2;
	v1 =	vnsel vm10, $0x0, v1;
	vm11 =	vgt.s32 v0, $0x0;
	(pc) =	sbr.rel @!p1 .LBB2_3-.Ltmp1, $4  }
0x35: {  	vm12 =	vgt.s32 v63, $0x0;
	v2 =	vadd.s32 $0xFFFFFFFF, v3;
	[tilespmem:$0x150] =	vst v1;
	v0 =	vnsel vm11, $0x0, v0  }
0x36: {  	vm13 =	vgt.s32 v2, $0x0;
	v1 =	vnsel vm12, $0x0, v63;
	[tilespmem:$0x140] =	vst v0;
	v0 =	vadd.s32 $0xFFFFFFFF, v62  }
0x37: {  	vm14 =	vgt.s32 v8, $0x0;
	v2 =	vnsel vm13, $0x0, v2;
	[tilespmem:$0x130] =	vst v1;
	vm15 =	vgt.s32 v0, $0x0  }
0x38: {  	s15 =	sadd.s32 $0xFFFFFFFF, s15;
	p0 =	por $0x1, $0x1;
	v1 =	vnsel vm14, $0x0, v8;
	[tilespmem:$0x120] =	vst v2;
	v0 =	vnsel vm15, $0x0, v0  }
.LBB2_2:
0x39: {  	p1 =	sne.s32 s15, $0x1;
	s15 =	sadd.s32 $0xFFFFFFFF, s15;
	[tilespmem:$0x190] =	vst v0  }
0x3a: {  	[tilespmem:$0x0] =	vst v1  }
0x3b: {  	[tilespmem:s6], [sflag:$0x1] =	stream.indirect.gather [hbm4b:s3+s8], $0x80, s2, s8, $0xb8;
	[tilespmem:$0x10200] =	vst v63  }
0x3c: {  	_ = 	snop  }
0x3d: {  	[tilespmem:s9], [sflag:$0x1] =	stream.indirect.gather [hbm4b:s3+s8], $0x80, s8, s8, $0xb8;
	[tilespmem:$0x10200] =	vst v63  }
0x3e: {  	_ = 	snop  }
0x3f: {  	[tilespmem:s11], [sflag:$0x1] =	stream.indirect.gather [hbm4b:s3+s8], $0x80, s10, s8, $0xb8;
	[tilespmem:$0x10200] =	vst v63  }
0x40: {  	_ = 	snop  }
0x41: {  	[tilespmem:s13], [sflag:$0x1] =	stream.indirect.gather [hbm4b:s3+s8], $0x80, s12, s8, $0xb8;
	[tilespmem:$0x10200] =	vst v63  }
0x42: {  	_ =	swait.ge [sflag:s7], $0x4000  }
0x43: {  	[sflag:s7] =	ssyncset.done $0x0  }
0x44: {  	[sflag:s7] =	ssyncadd.s32 $0xFFFFC000  }
0x45: {  	_ =	swait.ge [sflag:s7], $0x4000  }
0x46: {  	[sflag:s7] =	ssyncset.done $0x0  }
0x47: {  	[sflag:s7] =	ssyncadd.s32 $0xFFFFC000  }
0x48: {  	_ =	swait.ge [sflag:s7], $0x4000  }
0x49: {  	[sflag:s7] =	ssyncset.done $0x0  }
0x4a: {  	[sflag:s7] =	ssyncadd.s32 $0xFFFFC000  }
0x4b: {  	_ =	swait.ge [sflag:s7], $0x4000  }
0x4c: {  	[sflag:s7] =	ssyncset.done $0x0  }
0x4d: {  	[sflag:s7] =	ssyncadd.s32 $0xFFFFC000  }
0x4e: {  	[hbm4b:s5+s2] =	stream.linear.scatter [tilespmem:s6], [sflag:$0x2], $0x10000, $0x38;
	[tilespmem:$0x10200] =	vst v63  }
0x4f: {  	_ =	swait.ge [sflag:s4], $0x10000  }
0x50: {  	[sflag:s4] =	ssyncset.done $0x0  }
0x51: {  	[sflag:s4] =	ssyncadd.s32 $0xFFFF0000  }
0x52: {  	[tilespmem:s2], [sflag:$0x2] =	stream.linear.gather [hbm4b:s14+s2], $0x200, $0x38;
	[tilespmem:$0x10200] =	vst v63  }
0x53: {  	_ =	swait.ge [sflag:s4], $0x200  }
0x54: {  	[sflag:s4] =	ssyncset.done $0x0  }
0x55: {  	[sflag:s4] =	ssyncadd.s32 $0xFFFFFE00  }
0x56: {  	v0 =	vld [tilespmem:$0xD0]  }
0x57: {  	v1 =	vld [tilespmem:$0x180]  }
0x58: {  	v2 =	vld [tilespmem:$0x80]  }
0x59: {  	v3 =	vld [tilespmem:$0x170]  }
0x5a: {  	v4 =	vld [tilespmem:$0x160]  }
0x5b: {  	v5 =	vld [tilespmem:$0x1A0]  }
0x5c: {  	v6 =	vadd.s32 $0xFFFFFFFF, v0;
	v0 =	vadd.s32 $0xFFFFFFFF, v1;
	v1 =	vld [tilespmem:$0x1D0]  }
0x5d: {  	vm1 =	vgt.s32 v6, $0x0;
	v2 =	vadd.s32 $0xFFFFFFFF, v2;
	vm0 =	vgt.s32 v0, $0x0;
	v7 =	vld [tilespmem:$0x1C0]  }
0x5e: {  	v6 =	vnsel vm1, $0x0, v6;
	vm2 =	vgt.s32 v2, $0x0;
	v3 =	vadd.s32 $0xFFFFFFFF, v3;
	v8 =	vld [tilespmem:$0x1B0]  }
0x5f: {  	v9 =	vld [tilespmem:$0x10];
	v2 =	vnsel vm2, $0x0, v2;
	v4 =	vadd.s32 $0xFFFFFFFF, v4;
	vm1 =	vgt.s32 v3, $0x0  }
0x60: {  	[tilespmem:$0x80] =	vst v2;
	vm2 =	vgt.s32 v4, $0x0;
	v2 =	vnsel vm1, $0x0, v3;
	v3 =	vadd.s32 $0xFFFFFFFF, v5;
	v5 =	vld [tilespmem:$0x1E0]  }
0x61: {  	v10 =	vld [tilespmem:$0x70];
	v4 =	vnsel vm2, $0x0, v4;
	[tilespmem:$0x170] =	vst v2;
	vm1 =	vgt.s32 v3, $0x0;
	v1 =	vadd.s32 $0xFFFFFFFF, v1  }
0x62: {  	v2 =	vld [tilespmem:$0x50];
	[tilespmem:$0xD0] =	vst v6;
	v3 =	vnsel vm1, $0x0, v3;
	v6 =	vadd.s32 $0xFFFFFFFF, v7;
	vm1 =	vgt.s32 v1, $0x0  }
0x63: {  	v7 =	vld [tilespmem:$0x40];
	[tilespmem:$0x1A0] =	vst v3;
	v3 =	vadd.s32 $0xFFFFFFFF, v8;
	vm2 =	vgt.s32 v6, $0x0;
	v1 =	vnsel vm1, $0x0, v1  }
0x64: {  	v8 =	vadd.s32 $0xFFFFFFFF, v9;
	v9 =	vld [tilespmem:$0xE0];
	vm1 =	vgt.s32 v3, $0x0;
	v6 =	vnsel vm2, $0x0, v6;
	[tilespmem:$0x1D0] =	vst v1  }
0x65: {  	vm2 =	vgt.s32 v8, $0x0;
	v1 =	vld [tilespmem:$0x30];
	[tilespmem:$0x160] =	vst v4;
	v3 =	vnsel vm1, $0x0, v3;
	v4 =	vadd.s32 $0xFFFFFFFF, v5  }
0x66: {  	v5 =	vnsel vm2, $0x0, v8;
	v8 =	vld [tilespmem:$0x20];
	v10 =	vadd.s32 $0xFFFFFFFF, v10;
	[tilespmem:$0x1C0] =	vst v6;
	vm1 =	vgt.s32 v4, $0x0  }
0x67: {  	v6 =	vld [tilespmem:$0x0];
	v2 =	vadd.s32 $0xFFFFFFFF, v2;
	vm2 =	vgt.s32 v10, $0x0;
	[tilespmem:$0x1B0] =	vst v3;
	v3 =	vnsel vm1, $0x0, v4  }
0x68: {  	v4 =	vadd.s32 $0xFFFFFFFF, v7;
	vm1 =	vgt.s32 v2, $0x0;
	v7 =	vnsel vm2, $0x0, v10;
	v10 =	vld [tilespmem:$0xC0];
	[tilespmem:$0x1E0] =	vst v3  }
0x69: {  	vm2 =	vgt.s32 v4, $0x0;
	v2 =	vnsel vm1, $0x0, v2;
	[tilespmem:$0x70] =	vst v7;
	v3 =	vld [tilespmem:$0xA0];
	v7 =	vadd.s32 $0xFFFFFFFF, v9  }
0x6a: {  	v1 =	vadd.s32 $0xFFFFFFFF, v1;
	v4 =	vnsel vm2, $0x0, v4;
	[tilespmem:$0x50] =	vst v2;
	v2 =	vld [tilespmem:$0x90];
	vm1 =	vgt.s32 v7, $0x0  }
0x6b: {  	v8 =	vadd.s32 $0xFFFFFFFF, v8;
	vm2 =	vgt.s32 v1, $0x0;
	[tilespmem:$0x40] =	vst v4;
	v4 =	vld [tilespmem:$0x60];
	v7 =	vnsel vm1, $0x0, v7  }
0x6c: {  	v6 =	vadd.s32 $0xFFFFFFFF, v6;
	vm1 =	vgt.s32 v8, $0x0;
	v9 =	vnsel vm2, $0x0, v1;
	[tilespmem:$0xE0] =	vst v7;
	v7 =	vld [tilespmem:$0x110]  }
0x6d: {  	vm2 =	vgt.s32 v6, $0x0;
	[tilespmem:$0x10] =	vst v5;
	v5 =	vnsel vm1, $0x0, v8;
	v8 =	vadd.s32 $0xFFFFFFFF, v10  }
0x6e: {  	v1 =	vnsel vm2, $0x0, v6;
	[tilespmem:$0x30] =	vst v9;
	v3 =	vadd.s32 $0xFFFFFFFF, v3;
	v6 =	vld [tilespmem:$0xB0];
	vm1 =	vgt.s32 v8, $0x0  }
0x6f: {  	[tilespmem:$0x20] =	vst v5;
	v2 =	vadd.s32 $0xFFFFFFFF, v2;
	vm2 =	vgt.s32 v3, $0x0;
	v5 =	vnsel vm1, $0x0, v8;
	v8 =	vld [tilespmem:$0x100]  }
0x70: {  	v4 =	vadd.s32 $0xFFFFFFFF, v4;
	vm1 =	vgt.s32 v2, $0x0;
	v3 =	vnsel vm2, $0x0, v3;
	[tilespmem:$0xC0] =	vst v5;
	v5 =	vld [tilespmem:$0xF0]  }
0x71: {  	vm2 =	vgt.s32 v4, $0x0;
	v2 =	vnsel vm1, $0x0, v2;
	[tilespmem:$0xA0] =	vst v3;
	v3 =	vadd.s32 $0xFFFFFFFF, v7;
	v7 =	vld [tilespmem:$0x1F0]  }
0x72: {  	v0 =	vnsel vm0, $0x0, v0;
	v4 =	vnsel vm2, $0x0, v4;
	[tilespmem:$0x90] =	vst v2;
	vm1 =	vgt.s32 v3, $0x0;
	v2 =	vld [tilespmem:$0x150]  }
0x73: {  	v6 =	vadd.s32 $0xFFFFFFFF, v6;
	v3 =	vnsel vm1, $0x0, v3;
	v9 =	vld [tilespmem:$0x140];
	[tilespmem:$0x180] =	vst v0  }
0x74: {  	[tilespmem:$0x60] =	vst v4;
	vm0 =	vgt.s32 v6, $0x0;
	v0 =	vadd.s32 $0xFFFFFFFF, v8;
	v4 =	vld [tilespmem:$0x130]  }
0x75: {  	v6 =	vnsel vm0, $0x0, v6;
	v5 =	vadd.s32 $0xFFFFFFFF, v5;
	vm0 =	vgt.s32 v0, $0x0;
	[tilespmem:$0x110] =	vst v3;
	v3 =	vld [tilespmem:$0x120]  }
0x76: {  	[tilespmem:$0xB0] =	vst v6;
	vm1 =	vgt.s32 v5, $0x0;
	v0 =	vnsel vm0, $0x0, v0;
	v6 =	vld [tilespmem:$0x190];
	v7 =	vadd.s32 $0xFFFFFFFF, v7  }
0x77: {  	v5 =	vnsel vm1, $0x0, v5;
	[tilespmem:$0x100] =	vst v0;
	v0 =	vadd.s32 $0xFFFFFFFF, v2;
	vm0 =	vgt.s32 v7, $0x0  }
0x78: {  	[tilespmem:$0xF0] =	vst v5;
	v2 =	vadd.s32 $0xFFFFFFFF, v9;
	vm1 =	vgt.s32 v0, $0x0;
	v5 =	vnsel vm0, $0x0, v7  }
.Ltmp2:
0x79: {  	v4 =	vadd.s32 $0xFFFFFFFF, v4;
	vm0 =	vgt.s32 v2, $0x0;
	v0 =	vnsel vm1, $0x0, v0;
	[tilespmem:$0x1F0] =	vst v5;
	(pc) =	sbr.rel @p1 .LBB2_2-.Ltmp2, $4  }
0x7a: {  	v3 =	vadd.s32 $0xFFFFFFFF, v3;
	vm1 =	vgt.s32 v4, $0x0;
	v2 =	vnsel vm0, $0x0, v2;
	[tilespmem:$0x150] =	vst v0  }
0x7b: {  	vm0 =	vgt.s32 v3, $0x0;
	v0 =	vnsel vm1, $0x0, v4;
	[tilespmem:$0x140] =	vst v2;
	v2 =	vadd.s32 $0xFFFFFFFF, v6  }
0x7c: {  	v3 =	vnsel vm0, $0x0, v3;
	[tilespmem:$0x130] =	vst v0;
	vm0 =	vgt.s32 v2, $0x0  }
0x7d: {  	[tilespmem:$0x120] =	vst v3;
	v0 =	vnsel vm0, $0x0, v2  }
.LBB2_3:
0x7e: {  	[tilespmem:$0x190] =	vst @p0 v0  }
0x7f: {  	[tilespmem:$0x0] =	vst @p0 v1  }
0x80: {  	[tilespmem:s6], [sflag:$0x1] =	stream.indirect.gather @p0 [hbm4b:s3+s8], $0x80, s2, s8, $0xb8;
	[tilespmem:$0x10200] =	vst v63  }
0x81: {  	_ = 	snop  }
0x82: {  	[tilespmem:s9], [sflag:$0x1] =	stream.indirect.gather @p0 [hbm4b:s3+s8], $0x80, s8, s8, $0xb8;
	[tilespmem:$0x10200] =	vst v63  }
0x83: {  	_ = 	snop  }
0x84: {  	[tilespmem:s11], [sflag:$0x1] =	stream.indirect.gather @p0 [hbm4b:s3+s8], $0x80, s10, s8, $0xb8;
	[tilespmem:$0x10200] =	vst v63  }
0x85: {  	_ = 	snop  }
0x86: {  	[tilespmem:s13], [sflag:$0x1] =	stream.indirect.gather @p0 [hbm4b:s3+s8], $0x80, s12, s8, $0xb8;
	[tilespmem:$0x10200] =	vst v63  }
0x87: {  	_ =	swait.ge @p0 [sflag:s7], $0x4000  }
0x88: {  	[sflag:s7] =	ssyncset.done @p0 $0x0  }
0x89: {  	[sflag:s7] =	ssyncadd.s32 @p0 $0xFFFFC000  }
0x8a: {  	_ =	swait.ge @p0 [sflag:s7], $0x4000  }
0x8b: {  	[sflag:s7] =	ssyncset.done @p0 $0x0  }
0x8c: {  	[sflag:s7] =	ssyncadd.s32 @p0 $0xFFFFC000  }
0x8d: {  	_ =	swait.ge @p0 [sflag:s7], $0x4000  }
0x8e: {  	[sflag:s7] =	ssyncset.done @p0 $0x0  }
0x8f: {  	[sflag:s7] =	ssyncadd.s32 @p0 $0xFFFFC000  }
0x90: {  	_ =	swait.ge @p0 [sflag:s7], $0x4000  }
0x91: {  	[sflag:s7] =	ssyncset.done @p0 $0x0  }
0x92: {  	[sflag:s7] =	ssyncadd.s32 @p0 $0xFFFFC000  }
0x93: {  	[hbm4b:s5+s2] =	stream.linear.scatter @p0 [tilespmem:s6], [sflag:$0x2], $0x10000, $0x38;
	[tilespmem:$0x10200] =	vst v63  }
0x94: {  	_ =	swait.ge @p0 [sflag:s4], $0x10000  }
0x95: {  	[sflag:s4] =	ssyncset.done @p0 $0x0  }
0x96: {  	[sflag:s4] =	ssyncadd.s32 @p0 $0xFFFF0000  }
0x97: {  	[tilespmem:s2], [sflag:$0x2] =	stream.linear.gather [hbm4b:s14+s2], $0x200, $0x38;
	[tilespmem:$0x10200] =	vst v63  }
0x98: {  	_ =	swait.ge [sflag:s4], $0x200  }
0x99: {  	[sflag:s4] =	ssyncset.done $0x0  }
0x9a: {  	[sflag:s4] =	ssyncadd.s32 $0xFFFFFE00  }
0x9b: {  	v16 =	vld [tilespmem:$0x80]  }
0x9c: {  	v17 =	vld [tilespmem:$0x170]  }
0x9d: {  	v2 =	vld [tilespmem:$0xD0]  }
0x9e: {  	v3 =	vld [tilespmem:$0x1A0]  }
0x9f: {  	v4 =	vld [tilespmem:$0x1D0]  }
0xa0: {  	v5 =	vld [tilespmem:$0x160]  }
0xa1: {  	v7 =	vld [tilespmem:$0x1B0];
	v0 =	vadd.s32 $0xFFFFFFFF, v16  }
0xa2: {  	v8 =	vld [tilespmem:$0x70];
	v1 =	vadd.s32 $0xFFFFFFFF, v17;
	v2 =	vadd.s32 $0xFFFFFFFF, v2;
	vm0 =	vgt.s32 v0, $0x0  }
0xa3: {  	v23 =	vld [tilespmem:$0x50];
	v19 =	vadd.s32 $0xFFFFFFFF, v3;
	vm10 =	vgt.s32 v1, $0x0;
	v0 =	vnsel vm0, $0x0, v0  }
0xa4: {  	v28 =	vld [tilespmem:$0xE0];
	v21 =	vadd.s32 $0xFFFFFFFF, v4;
	vm1 =	vgt.s32 v2, $0x0;
	v18 =	vnsel vm10, $0x0, v1;
	[tilespmem:$0x80] =	vst v0  }
0xa5: {  	v22 =	vadd.s32 $0xFFFFFFFF, v5;
	vm11 =	vgt.s32 v19, $0x0;
	v2 =	vnsel vm1, $0x0, v2;
	[tilespmem:$0x170] =	vst v18  }
0xa6: {  	v6 =	vld [tilespmem:$0x1C0];
	v27 =	vadd.s32 $0xFFFFFFFF, v7;
	vm13 =	vgt.s32 v22, $0x0;
	v1 =	vnsel vm11, $0x0, v19;
	[tilespmem:$0xD0] =	vst v2  }
0xa7: {  	v20 =	vld [tilespmem:$0x1E0];
	v8 =	vadd.s32 $0xFFFFFFFF, v8;
	vm15 =	vgt.s32 v27, $0x0;
	v26 =	vnsel vm13, $0x0, v22;
	[tilespmem:$0x1A0] =	vst v1  }
0xa8: {  	v25 =	vld [tilespmem:$0x40];
	v5 =	vadd.s32 $0xFFFFFFFF, v23;
	vm5 =	vgt.s32 v8, $0x0;
	v4 =	vnsel vm15, $0x0, v27;
	[tilespmem:$0x160] =	vst v26  }
0xa9: {  	v31 =	vld [tilespmem:$0x30];
	v38 =	vadd.s32 $0xFFFFFFFF, v28;
	vm6 =	vgt.s32 v5, $0x0;
	v34 =	vnsel vm5, $0x0, v8;
	[tilespmem:$0x1B0] =	vst v4  }
0xaa: {  	v40 =	vld [tilespmem:$0x180];
	vm8 =	vgt.s32 v38, $0x0;
	v36 =	vnsel vm6, $0x0, v5;
	[tilespmem:$0x70] =	vst v34  }
0xab: {  	v37 =	vld [tilespmem:$0xA0];
	v24 =	vadd.s32 $0xFFFFFFFF, v6;
	vm12 =	vgt.s32 v21, $0x0;
	v41 =	vnsel vm8, $0x0, v38;
	[tilespmem:$0x50] =	vst v36  }
0xac: {  	v42 =	vld [tilespmem:$0x60];
	v30 =	vadd.s32 $0xFFFFFFFF, v20;
	vm14 =	vgt.s32 v24, $0x0;
	v0 =	vnsel vm12, $0x0, v21;
	[tilespmem:$0xE0] =	vst v41  }
0xad: {  	v46 =	vld [tilespmem:$0xB0];
	v33 =	vadd.s32 $0xFFFFFFFF, v25;
	vm4 =	vgt.s32 v30, $0x0;
	v2 =	vnsel vm14, $0x0, v24;
	[tilespmem:$0x1D0] =	vst v0  }
0xae: {  	v55 =	vld [tilespmem:$0x0];
	v3 =	vadd.s32 $0xFFFFFFFF, v31;
	vm7 =	vgt.s32 v33, $0x0;
	v1 =	vnsel vm4, $0x0, v30;
	[tilespmem:$0x1C0] =	vst v2  }
0xaf: {  	v29 =	vld [tilespmem:$0x10];
	v7 =	vadd.s32 $0xFFFFFFFF, v40;
	vm10 =	vgt.s32 v3, $0x0;
	v4 =	vnsel vm7, $0x0, v33;
	[tilespmem:$0x1E0] =	vst v1  }
0xb0: {  	v32 =	vld [tilespmem:$0x20];
	v45 =	vadd.s32 $0xFFFFFFFF, v37;
	vm15 =	vgt.s32 v7, $0x0;
	v3 =	vnsel vm10, $0x0, v3;
	[tilespmem:$0x40] =	vst v4  }
0xb1: {  	v39 =	vld [tilespmem:$0x90];
	v6 =	vadd.s32 $0xFFFFFFFF, v42;
	vm13 =	vgt.s32 v45, $0x0;
	v7 =	vnsel vm15, $0x0, v7;
	[tilespmem:$0x30] =	vst v3  }
0xb2: {  	v43 =	vld [tilespmem:$0x110];
	v5 =	vadd.s32 $0xFFFFFFFF, v46;
	vm4 =	vgt.s32 v6, $0x0;
	v3 =	vnsel vm13, $0x0, v45;
	[tilespmem:$0x180] =	vst v7  }
0xb3: {  	v35 =	vld [tilespmem:$0xC0];
	v62 =	vadd.s32 $0xFFFFFFFF, v55;
	vm6 =	vgt.s32 v5, $0x0;
	v6 =	vnsel vm4, $0x0, v6;
	[tilespmem:$0xA0] =	vst v3  }
0xb4: {  	v49 =	vld [tilespmem:$0x1F0];
	vm15 =	vgt.s32 v62, $0x0;
	v0 =	vadd.s32 $0xFFFFFFFF, v29;
	v5 =	vnsel vm6, $0x0, v5;
	[tilespmem:$0x60] =	vst v6  }
0xb5: {  	v52 =	vld [tilespmem:$0x130];
	v2 =	vadd.s32 $0xFFFFFFFF, v32;
	v63 =	vnsel vm15, $0x0, v62;
	vm9 =	vgt.s32 v0, $0x0;
	[tilespmem:$0xB0] =	vst v5  }
0xb6: {  	v47 =	vld [tilespmem:$0x100];
	v1 =	vadd.s32 $0xFFFFFFFF, v39;
	vm11 =	vgt.s32 v2, $0x0;
	[tilespmem:$0x0] =	vst v63;
	v0 =	vnsel vm9, $0x0, v0  }
0xb7: {  	v50 =	vld [tilespmem:$0x150];
	v4 =	vadd.s32 $0xFFFFFFFF, v43;
	vm14 =	vgt.s32 v1, $0x0;
	v2 =	vnsel vm11, $0x0, v2;
	[tilespmem:$0x10] =	vst v0  }
0xb8: {  	v48 =	vld [tilespmem:$0xF0];
	v44 =	vadd.s32 $0xFFFFFFFF, v35;
	vm5 =	vgt.s32 v4, $0x0;
	v1 =	vnsel vm14, $0x0, v1;
	[tilespmem:$0x20] =	vst v2  }
0xb9: {  	v53 =	vld [tilespmem:$0x120];
	vm12 =	vgt.s32 v44, $0x0;
	v3 =	vadd.s32 $0xFFFFFFFF, v49;
	v4 =	vnsel vm5, $0x0, v4;
	[tilespmem:$0x90] =	vst v1  }
0xba: {  	v51 =	vld [tilespmem:$0x140];
	v58 =	vadd.s32 $0xFFFFFFFF, v52;
	vm9 =	vgt.s32 v3, $0x0;
	v0 =	vnsel vm12, $0x0, v44;
	[tilespmem:$0x110] =	vst v4  }
0xbb: {  	v54 =	vld [tilespmem:$0x190];
	v2 =	vadd.s32 $0xFFFFFFFF, v47;
	v57 =	vnsel vm9, $0x0, v3;
	vm12 =	vgt.s32 v58, $0x0;
	[tilespmem:$0xC0] =	vst v0  }
0xbc: {  	v1 =	vadd.s32 $0xFFFFFFFF, v50;
	vm7 =	vgt.s32 v2, $0x0;
	[tilespmem:$0x1F0] =	vst v57;
	v60 =	vnsel vm12, $0x0, v58  }
0xbd: {  	v0 =	vadd.s32 $0xFFFFFFFF, v48;
	vm10 =	vgt.s32 v1, $0x0;
	v2 =	vnsel vm7, $0x0, v2;
	[tilespmem:$0x130] =	vst v60  }
0xbe: {  	v59 =	vadd.s32 $0xFFFFFFFF, v53;
	vm8 =	vgt.s32 v0, $0x0;
	v1 =	vnsel vm10, $0x0, v1;
	[tilespmem:$0x100] =	vst v2  }
0xbf: {  	v56 =	vadd.s32 $0xFFFFFFFF, v51;
	vm13 =	vgt.s32 v59, $0x0;
	v0 =	vnsel vm8, $0x0, v0;
	[tilespmem:$0x150] =	vst v1  }
0xc0: {  	v61 =	vadd.s32 $0xFFFFFFFF, v54;
	vm11 =	vgt.s32 v56, $0x0;
	v2 =	vnsel vm13, $0x0, v59;
	[tilespmem:$0xF0] =	vst v0  }
0xc1: {  	vm14 =	vgt.s32 v61, $0x0;
	v0 =	vnsel vm11, $0x0, v56;
	[tilespmem:$0x120] =	vst v2  }
0xc2: {  	[tilespmem:$0x140] =	vst v0;
	v0 =	vnsel vm14, $0x0, v61  }
0xc3: {  	[tilespmem:$0x190] =	vst v0  }
0xc4: {  	[tilespmem:s6], [sflag:$0x1] =	stream.indirect.gather [hbm4b:s3+s8], $0x80, s2, s8, $0xb8;
	[tilespmem:$0x10200] =	vst v63  }
0xc5: {  	_ = 	snop  }
0xc6: {  	[tilespmem:s9], [sflag:$0x1] =	stream.indirect.gather [hbm4b:s3+s8], $0x80, s8, s8, $0xb8;
	[tilespmem:$0x10200] =	vst v63  }
0xc7: {  	_ = 	snop  }
0xc8: {  	[tilespmem:s11], [sflag:$0x1] =	stream.indirect.gather [hbm4b:s3+s8], $0x80, s10, s8, $0xb8;
	[tilespmem:$0x10200] =	vst v63  }
0xc9: {  	_ = 	snop  }
0xca: {  	[tilespmem:s13], [sflag:$0x1] =	stream.indirect.gather [hbm4b:s3+s8], $0x80, s12, s8, $0xb8;
	[tilespmem:$0x10200] =	vst v63  }
0xcb: {  	_ =	swait.ge [sflag:s7], $0x4000  }
0xcc: {  	[sflag:s7] =	ssyncset.done $0x0  }
0xcd: {  	[sflag:s7] =	ssyncadd.s32 $0xFFFFC000  }
0xce: {  	_ =	swait.ge [sflag:s7], $0x4000  }
0xcf: {  	[sflag:s7] =	ssyncset.done $0x0  }
0xd0: {  	[sflag:s7] =	ssyncadd.s32 $0xFFFFC000  }
0xd1: {  	_ =	swait.ge [sflag:s7], $0x4000  }
0xd2: {  	[sflag:s7] =	ssyncset.done $0x0  }
0xd3: {  	[sflag:s7] =	ssyncadd.s32 $0xFFFFC000  }
0xd4: {  	_ =	swait.ge [sflag:s7], $0x4000  }
0xd5: {  	[sflag:s7] =	ssyncset.done $0x0  }
0xd6: {  	[sflag:s7] =	ssyncadd.s32 $0xFFFFC000  }
0xd7: {  	[hbm4b:s5+s2] =	stream.linear.scatter [tilespmem:s6], [sflag:$0x2], $0x10000, $0x38;
	[tilespmem:$0x10200] =	vst v63  }
0xd8: {  	_ =	swait.ge [sflag:s4], $0x10000  }
0xd9: {  	[sflag:s4] =	ssyncset.done $0x0  }
0xda: {  	[sflag:s4] =	ssyncadd.s32 $0xFFFF0000  }
0xdb: {  	_ =	sfence.sel $0x180000  }
0xdc: {  	[bflag:$0x0] =	sbarrier.arrive $0xFFFF  }
0xdd: {  	p0 =	sne.s32 s1, $0x0;
	_ =	strace $0x90000047  }
0xde: {  	s0 =	sadd.s32 @!p0 $0x100000, s0;
	[bflag:$0x2] =	sbarrier.arrive $0xFFFF  }
0xdf: {  	[sflag:s0] =	ssyncadd.tile.s32 @!p0 $0x1;
	_ =	shalt  }
.Lfunc_end2:
_tile_overlayer_lowered:
.L_overlay_start_2:
0xe0: {  	(tag) =	ssettag $0x2  }
0xe1: {  	s0 =	rddreg [dreg:$0x0];
	s2 =	stileid.u32  }
0xe2: {  	s1 =	rddreg [dreg:$0x1];
	p0 =	sne.s32 s2, $0x0  }
0xe3: {  	s3 =	rddreg [dreg:$0x2];
	[bflag:$0x3] =	sbarrier.arrive $0xFFFF;
	s2 =	simm.s32 @!p0 $0x1C02  }
0xe4: {  	[timem:s3], [sflag:s2] =	dma.local @!p0 [hbm:s0], s1  }
0xe5: {  	s0 =	simm.s32 @!p0 $0x2  }
0xe6: {  	_ =	swait.ge @!p0 [sflag:s0], s1  }
0xe7: {  	s1 =	ssub.s32 @!p0 $0x0, s1;
	[sflag:s0] =	ssyncset.done @!p0 $0x0  }
0xe8: {  	[sflag:s0] =	ssyncadd.s32 @!p0 s1  }
0xe9: {  	[bflag:$0x3] =	sbarrier.arrive $0xFFFF  }
0xea: {  	_ =	shalt  }

</sc_bundles>
